<compile_context>
chip_gen: v7x
topology: tpu7x:2x2x1
jax: 0.10.2.dev20260603
libtpu: 0.0.44.dev20260713+nightly
codegen_flags: <defaults>
</compile_context>

<pallas_src>
import functools

import jax
import jax.numpy as jnp
from jax.experimental import pallas as pl
from jax.experimental.pallas import tpu as pltpu
from jax.experimental.pallas import tpu_sc as plsc

_D = 128


def _dot_body(inputs_hbm, idx_hbm, table_hbm, out_hbm, idx_s, row_s, in_s,
              out_s, sem, sem2):
    cp_idx = pltpu.make_async_copy(idx_hbm, idx_s, sem2)
    cp_idx.start()
    pltpu.sync_copy(inputs_hbm, in_s)
    cp_idx.wait()
    idx = idx_s[0]
    pltpu.async_copy(table_hbm.at[idx], row_s, sem).wait()
    acc = [jnp.float32(0.0)] * 4
    for i in range(_D):
        acc[i % 4] = acc[i % 4] + row_s[i] * in_s[i]
    out_s[0] = (acc[0] + acc[1]) + (acc[2] + acc[3])
    pltpu.sync_copy(out_s, out_hbm)


@jax.jit
def _run(inputs, user_idx, table):
    mesh = plsc.ScalarSubcoreMesh(axis_name="c", num_cores=1)
    k = functools.partial(
        pl.kernel,
        mesh=mesh,
        out_type=jax.ShapeDtypeStruct((1,), jnp.float32),
        scratch_types=[
            pltpu.SMEM((1,), jnp.int32),
            pltpu.SMEM((_D,), jnp.float32),
            pltpu.SMEM((_D,), jnp.float32),
            pltpu.SMEM((1,), jnp.float32),
            pltpu.SemaphoreType.DMA,
            pltpu.SemaphoreType.DMA,
        ],
    )(_dot_body)
    out = k(inputs, user_idx.astype(jnp.int32), table)
    return out[0]


def kernel(inputs, user_idx, table):
    return _run(inputs, user_idx, table)

# --- scband reference (transcript-rebuilt; emitter-appended) ---
"""Pipeline reference for scband-ensemble-18451179503649 (READ-ONLY COPY).

The authoritative reference and input builder live on the scoring server;
editing this copy changes nothing except your own understanding.
"""

import jax, jax.numpy as jnp
import numpy as np

NUM_USERS = 1000000
NUM_MODELS = 128


def setup_inputs(seed: int = 0) -> dict:
    key = jax.random.key(seed)
    k1, k2 = jax.random.split(key)
    inputs = jax.random.normal(k1, (NUM_MODELS,), dtype=jnp.float32)
    user_idx = jax.random.randint(k2, (1,), 0, NUM_USERS, dtype=jnp.int64 if jax.config.jax_enable_x64 else jnp.int32)
    # Learned parameter: embedding table initialized as ones / num_models (per module __init__)
    table = jnp.ones((NUM_USERS, NUM_MODELS), dtype=jnp.float32) / NUM_MODELS
    return {"inputs": inputs, "user_idx": user_idx, "table": table}


def reference(inputs, user_idx, table):
    # user_emb = self.embedding(user_idx).squeeze()
    user_emb = jnp.squeeze(jnp.take(table, user_idx, axis=0))
    x = jnp.squeeze(inputs)
    # torch.dot(user_emb, inputs)
    return jnp.dot(user_emb, x)

if __name__ == "__main__":
    import jax
    _d = setup_inputs()
    print(jax.jit(kernel)(*tuple(_d.values())))

</pallas_src>

<mosaic_0001>
#map = affine_map<(d0) -> (0)>
#map1 = affine_map<(d0) -> (0, 0)>
module attributes {stable_mosaic.version = 14 : i64} {
  func.func @_dot_body(%arg0: i32, %arg1: memref<128xf32, #tpu.memory_space<hbm>>, %arg2: memref<1xi32, #tpu.memory_space<hbm>>, %arg3: memref<1000000x128xf32, #tpu.memory_space<hbm>>, %arg4: memref<1xf32, #tpu.memory_space<hbm>>, %arg5: memref<1xi32, #tpu.memory_space<smem>>, %arg6: memref<128xf32, #tpu.memory_space<smem>>, %arg7: memref<128xf32, #tpu.memory_space<smem>>, %arg8: memref<1xf32, #tpu.memory_space<smem>>, %arg9: memref<!tpu.dma_semaphore, #tpu.memory_space<semaphore_mem>>, %arg10: memref<!tpu.dma_semaphore, #tpu.memory_space<semaphore_mem>>) attributes {dimension_semantics = [#tpu.dimension_semantics<core_parallel>], iteration_bounds = array<i64: 1>, scalar_prefetch = 0 : i64, scratch_operands = 6 : i64, tpu.core_type = #tpu.core_type<sc_scalar_subcore>, window_params = [{transform_indices = #map}, {transform_indices = #map}, {transform_indices = #map1}, {transform_indices = #map}]} {
    tpu.enqueue_dma source(%arg2 : memref<1xi32, #tpu.memory_space<hbm>>) target(%arg5 : memref<1xi32, #tpu.memory_space<smem>>) target_semaphore(%arg10 : memref<!tpu.dma_semaphore, #tpu.memory_space<semaphore_mem>>)
    "tpu.region"() ({
      %run_scoped3A = tpu.sem_alloc : memref<!tpu.dma_semaphore, #tpu.memory_space<semaphore_mem>>
      tpu.enqueue_dma source(%arg1 : memref<128xf32, #tpu.memory_space<hbm>>) target(%arg7 : memref<128xf32, #tpu.memory_space<smem>>) target_semaphore(%run_scoped3A : memref<!tpu.dma_semaphore, #tpu.memory_space<semaphore_mem>>)
      tpu.wait_dma2 semaphore(%run_scoped3A : memref<!tpu.dma_semaphore, #tpu.memory_space<semaphore_mem>>) src(%arg1 : memref<128xf32, #tpu.memory_space<hbm>>) dst(%arg7 : memref<128xf32, #tpu.memory_space<smem>>)
      tpu.yield
    }) : () -> ()
    tpu.wait_dma2 semaphore(%arg10 : memref<!tpu.dma_semaphore, #tpu.memory_space<semaphore_mem>>) src(%arg2 : memref<1xi32, #tpu.memory_space<hbm>>) dst(%arg5 : memref<1xi32, #tpu.memory_space<smem>>)
    %get3A = arith.constant 0 : i32
    %get3A_0 = arith.index_cast %get3A : i32 to index
    %get3A_1 = memref.load %arg5[%get3A_0] : memref<1xi32, #tpu.memory_space<smem>>
    %dma_start3A = arith.constant 0 : i32
    %dma_start3A_2 = tpu.memref_slice %arg3[%get3A_1, %dma_start3A] : memref<1000000x128xf32, #tpu.memory_space<hbm>> -> memref<1x128xf32, #tpu.memory_space<hbm>>
    %dma_start3A_3 = tpu.memref_squeeze %dma_start3A_2 : memref<1x128xf32, #tpu.memory_space<hbm>> -> memref<128xf32, #tpu.memory_space<hbm>>
    tpu.enqueue_dma source(%dma_start3A_3 : memref<128xf32, #tpu.memory_space<hbm>>) target(%arg6 : memref<128xf32, #tpu.memory_space<smem>>) target_semaphore(%arg9 : memref<!tpu.dma_semaphore, #tpu.memory_space<semaphore_mem>>)
    %dma_wait3A = arith.constant 0 : i32
    %dma_wait3A_4 = tpu.memref_slice %arg3[%get3A_1, %dma_wait3A] : memref<1000000x128xf32, #tpu.memory_space<hbm>> -> memref<1x128xf32, #tpu.memory_space<hbm>>
    %dma_wait3A_5 = tpu.memref_squeeze %dma_wait3A_4 : memref<1x128xf32, #tpu.memory_space<hbm>> -> memref<128xf32, #tpu.memory_space<hbm>>
    tpu.wait_dma2 semaphore(%arg9 : memref<!tpu.dma_semaphore, #tpu.memory_space<semaphore_mem>>) src(%dma_wait3A_5 : memref<128xf32, #tpu.memory_space<hbm>>) dst(%arg6 : memref<128xf32, #tpu.memory_space<smem>>)
    %get3A_6 = arith.constant 0 : i32
    %get3A_7 = arith.index_cast %get3A_6 : i32 to index
    %get3A_8 = memref.load %arg6[%get3A_7] : memref<128xf32, #tpu.memory_space<smem>>
    %get3A_9 = arith.constant 0 : i32
    %get3A_10 = arith.index_cast %get3A_9 : i32 to index
    %get3A_11 = memref.load %arg7[%get3A_10] : memref<128xf32, #tpu.memory_space<smem>>
    %mul3A = arith.mulf %get3A_8, %get3A_11 : f32
    %add3A = arith.constant 0.000000e+00 : f32
    %add3A_12 = arith.addf %add3A, %mul3A : f32
    %get3A_13 = arith.constant 1 : i32
    %get3A_14 = arith.index_cast %get3A_13 : i32 to index
    %get3A_15 = memref.load %arg6[%get3A_14] : memref<128xf32, #tpu.memory_space<smem>>
    %get3A_16 = arith.constant 1 : i32
    %get3A_17 = arith.index_cast %get3A_16 : i32 to index
    %get3A_18 = memref.load %arg7[%get3A_17] : memref<128xf32, #tpu.memory_space<smem>>
    %mul3A_19 = arith.mulf %get3A_15, %get3A_18 : f32
    %add3A_20 = arith.constant 0.000000e+00 : f32
    %add3A_21 = arith.addf %add3A_20, %mul3A_19 : f32
    %get3A_22 = arith.constant 2 : i32
    %get3A_23 = arith.index_cast %get3A_22 : i32 to index
    %get3A_24 = memref.load %arg6[%get3A_23] : memref<128xf32, #tpu.memory_space<smem>>
    %get3A_25 = arith.constant 2 : i32
    %get3A_26 = arith.index_cast %get3A_25 : i32 to index
    %get3A_27 = memref.load %arg7[%get3A_26] : memref<128xf32, #tpu.memory_space<smem>>
    %mul3A_28 = arith.mulf %get3A_24, %get3A_27 : f32
    %add3A_29 = arith.constant 0.000000e+00 : f32
    %add3A_30 = arith.addf %add3A_29, %mul3A_28 : f32
    %get3A_31 = arith.constant 3 : i32
    %get3A_32 = arith.index_cast %get3A_31 : i32 to index
    %get3A_33 = memref.load %arg6[%get3A_32] : memref<128xf32, #tpu.memory_space<smem>>
    %get3A_34 = arith.constant 3 : i32
    %get3A_35 = arith.index_cast %get3A_34 : i32 to index
    %get3A_36 = memref.load %arg7[%get3A_35] : memref<128xf32, #tpu.memory_space<smem>>
    %mul3A_37 = arith.mulf %get3A_33, %get3A_36 : f32
    %add3A_38 = arith.constant 0.000000e+00 : f32
    %add3A_39 = arith.addf %add3A_38, %mul3A_37 : f32
    %get3A_40 = arith.constant 4 : i32
    %get3A_41 = arith.index_cast %get3A_40 : i32 to index
    %get3A_42 = memref.load %arg6[%get3A_41] : memref<128xf32, #tpu.memory_space<smem>>
    %get3A_43 = arith.constant 4 : i32
    %get3A_44 = arith.index_cast %get3A_43 : i32 to index
    %get3A_45 = memref.load %arg7[%get3A_44] : memref<128xf32, #tpu.memory_space<smem>>
    %mul3A_46 = arith.mulf %get3A_42, %get3A_45 : f32
    %add3A_47 = arith.addf %add3A_12, %mul3A_46 : f32
    %get3A_48 = arith.constant 5 : i32
    %get3A_49 = arith.index_cast %get3A_48 : i32 to index
    %get3A_50 = memref.load %arg6[%get3A_49] : memref<128xf32, #tpu.memory_space<smem>>
    %get3A_51 = arith.constant 5 : i32
    %get3A_52 = arith.index_cast %get3A_51 : i32 to index
    %get3A_53 = memref.load %arg7[%get3A_52] : memref<128xf32, #tpu.memory_space<smem>>
    %mul3A_54 = arith.mulf %get3A_50, %get3A_53 : f32
    %add3A_55 = arith.addf %add3A_21, %mul3A_54 : f32
    %get3A_56 = arith.constant 6 : i32
    %get3A_57 = arith.index_cast %get3A_56 : i32 to index
    %get3A_58 = memref.load %arg6[%get3A_57] : memref<128xf32, #tpu.memory_space<smem>>
    %get3A_59 = arith.constant 6 : i32
    %get3A_60 = arith.index_cast %get3A_59 : i32 to index
    %get3A_61 = memref.load %arg7[%get3A_60] : memref<128xf32, #tpu.memory_space<smem>>
    %mul3A_62 = arith.mulf %get3A_58, %get3A_61 : f32
    %add3A_63 = arith.addf %add3A_30, %mul3A_62 : f32
    %get3A_64 = arith.constant 7 : i32
    %get3A_65 = arith.index_cast %get3A_64 : i32 to index
    %get3A_66 = memref.load %arg6[%get3A_65] : memref<128xf32, #tpu.memory_space<smem>>
    %get3A_67 = arith.constant 7 : i32
    %get3A_68 = arith.index_cast %get3A_67 : i32 to index
    %get3A_69 = memref.load %arg7[%get3A_68] : memref<128xf32, #tpu.memory_space<smem>>
    %mul3A_70 = arith.mulf %get3A_66, %get3A_69 : f32
    %add3A_71 = arith.addf %add3A_39, %mul3A_70 : f32
    %get3A_72 = arith.constant 8 : i32
    %get3A_73 = arith.index_cast %get3A_72 : i32 to index
    %get3A_74 = memref.load %arg6[%get3A_73] : memref<128xf32, #tpu.memory_space<smem>>
    %get3A_75 = arith.constant 8 : i32
    %get3A_76 = arith.index_cast %get3A_75 : i32 to index
    %get3A_77 = memref.load %arg7[%get3A_76] : memref<128xf32, #tpu.memory_space<smem>>
    %mul3A_78 = arith.mulf %get3A_74, %get3A_77 : f32
    %add3A_79 = arith.addf %add3A_47, %mul3A_78 : f32
    %get3A_80 = arith.constant 9 : i32
    %get3A_81 = arith.index_cast %get3A_80 : i32 to index
    %get3A_82 = memref.load %arg6[%get3A_81] : memref<128xf32, #tpu.memory_space<smem>>
    %get3A_83 = arith.constant 9 : i32
    %get3A_84 = arith.index_cast %get3A_83 : i32 to index
    %get3A_85 = memref.load %arg7[%get3A_84] : memref<128xf32, #tpu.memory_space<smem>>
    %mul3A_86 = arith.mulf %get3A_82, %get3A_85 : f32
    %add3A_87 = arith.addf %add3A_55, %mul3A_86 : f32
    %get3A_88 = arith.constant 10 : i32
    %get3A_89 = arith.index_cast %get3A_88 : i32 to index
    %get3A_90 = memref.load %arg6[%get3A_89] : memref<128xf32, #tpu.memory_space<smem>>
    %get3A_91 = arith.constant 10 : i32
    %get3A_92 = arith.index_cast %get3A_91 : i32 to index
    %get3A_93 = memref.load %arg7[%get3A_92] : memref<128xf32, #tpu.memory_space<smem>>
    %mul3A_94 = arith.mulf %get3A_90, %get3A_93 : f32
    %add3A_95 = arith.addf %add3A_63, %mul3A_94 : f32
    %get3A_96 = arith.constant 11 : i32
    %get3A_97 = arith.index_cast %get3A_96 : i32 to index
    %get3A_98 = memref.load %arg6[%get3A_97] : memref<128xf32, #tpu.memory_space<smem>>
    %get3A_99 = arith.constant 11 : i32
    %get3A_100 = arith.index_cast %get3A_99 : i32 to index
    %get3A_101 = memref.load %arg7[%get3A_100] : memref<128xf32, #tpu.memory_space<smem>>
    %mul3A_102 = arith.mulf %get3A_98, %get3A_101 : f32
    %add3A_103 = arith.addf %add3A_71, %mul3A_102 : f32
    %get3A_104 = arith.constant 12 : i32
    %get3A_105 = arith.index_cast %get3A_104 : i32 to index
    %get3A_106 = memref.load %arg6[%get3A_105] : memref<128xf32, #tpu.memory_space<smem>>
    %get3A_107 = arith.constant 12 : i32
    %get3A_108 = arith.index_cast %get3A_107 : i32 to index
    %get3A_109 = memref.load %arg7[%get3A_108] : memref<128xf32, #tpu.memory_space<smem>>
    %mul3A_110 = arith.mulf %get3A_106, %get3A_109 : f32
    %add3A_111 = arith.addf %add3A_79, %mul3A_110 : f32
    %get3A_112 = arith.constant 13 : i32
    %get3A_113 = arith.index_cast %get3A_112 : i32 to index
    %get3A_114 = memref.load %arg6[%get3A_113] : memref<128xf32, #tpu.memory_space<smem>>
    %get3A_115 = arith.constant 13 : i32
    %get3A_116 = arith.index_cast %get3A_115 : i32 to index
    %get3A_117 = memref.load %arg7[%get3A_116] : memref<128xf32, #tpu.memory_space<smem>>
    %mul3A_118 = arith.mulf %get3A_114, %get3A_117 : f32
    %add3A_119 = arith.addf %add3A_87, %mul3A_118 : f32
    %get3A_120 = arith.constant 14 : i32
    %get3A_121 = arith.index_cast %get3A_120 : i32 to index
    %get3A_122 = memref.load %arg6[%get3A_121] : memref<128xf32, #tpu.memory_space<smem>>
    %get3A_123 = arith.constant 14 : i32
    %get3A_124 = arith.index_cast %get3A_123 : i32 to index
    %get3A_125 = memref.load %arg7[%get3A_124] : memref<128xf32, #tpu.memory_space<smem>>
    %mul3A_126 = arith.mulf %get3A_122, %get3A_125 : f32
    %add3A_127 = arith.addf %add3A_95, %mul3A_126 : f32
    %get3A_128 = arith.constant 15 : i32
    %get3A_129 = arith.index_cast %get3A_128 : i32 to index
    %get3A_130 = memref.load %arg6[%get3A_129] : memref<128xf32, #tpu.memory_space<smem>>
    %get3A_131 = arith.constant 15 : i32
    %get3A_132 = arith.index_cast %get3A_131 : i32 to index
    %get3A_133 = memref.load %arg7[%get3A_132] : memref<128xf32, #tpu.memory_space<smem>>
    %mul3A_134 = arith.mulf %get3A_130, %get3A_133 : f32
    %add3A_135 = arith.addf %add3A_103, %mul3A_134 : f32
    %get3A_136 = arith.constant 16 : i32
    %get3A_137 = arith.index_cast %get3A_136 : i32 to index
    %get3A_138 = memref.load %arg6[%get3A_137] : memref<128xf32, #tpu.memory_space<smem>>
    %get3A_139 = arith.constant 16 : i32
    %get3A_140 = arith.index_cast %get3A_139 : i32 to index
    %get3A_141 = memref.load %arg7[%get3A_140] : memref<128xf32, #tpu.memory_space<smem>>
    %mul3A_142 = arith.mulf %get3A_138, %get3A_141 : f32
    %add3A_143 = arith.addf %add3A_111, %mul3A_142 : f32
    %get3A_144 = arith.constant 17 : i32
    %get3A_145 = arith.index_cast %get3A_144 : i32 to index
    %get3A_146 = memref.load %arg6[%get3A_145] : memref<128xf32, #tpu.memory_space<smem>>
    %get3A_147 = arith.constant 17 : i32
    %get3A_148 = arith.index_cast %get3A_147 : i32 to index
    %get3A_149 = memref.load %arg7[%get3A_148] : memref<128xf32, #tpu.memory_space<smem>>
    %mul3A_150 = arith.mulf %get3A_146, %get3A_149 : f32
    %add3A_151 = arith.addf %add3A_119, %mul3A_150 : f32
    %get3A_152 = arith.constant 18 : i32
    %get3A_153 = arith.index_cast %get3A_152 : i32 to index
    %get3A_154 = memref.load %arg6[%get3A_153] : memref<128xf32, #tpu.memory_space<smem>>
    %get3A_155 = arith.constant 18 : i32
    %get3A_156 = arith.index_cast %get3A_155 : i32 to index
    %get3A_157 = memref.load %arg7[%get3A_156] : memref<128xf32, #tpu.memory_space<smem>>
    %mul3A_158 = arith.mulf %get3A_154, %get3A_157 : f32
    %add3A_159 = arith.addf %add3A_127, %mul3A_158 : f32
    %get3A_160 = arith.constant 19 : i32
    %get3A_161 = arith.index_cast %get3A_160 : i32 to index
    %get3A_162 = memref.load %arg6[%get3A_161] : memref<128xf32, #tpu.memory_space<smem>>
    %get3A_163 = arith.constant 19 : i32
    %get3A_164 = arith.index_cast %get3A_163 : i32 to index
    %get3A_165 = memref.load %arg7[%get3A_164] : memref<128xf32, #tpu.memory_space<smem>>
    %mul3A_166 = arith.mulf %get3A_162, %get3A_165 : f32
    %add3A_167 = arith.addf %add3A_135, %mul3A_166 : f32
    %get3A_168 = arith.constant 20 : i32
    %get3A_169 = arith.index_cast %get3A_168 : i32 to index
    %get3A_170 = memref.load %arg6[%get3A_169] : memref<128xf32, #tpu.memory_space<smem>>
    %get3A_171 = arith.constant 20 : i32
    %get3A_172 = arith.index_cast %get3A_171 : i32 to index
    %get3A_173 = memref.load %arg7[%get3A_172] : memref<128xf32, #tpu.memory_space<smem>>
    %mul3A_174 = arith.mulf %get3A_170, %get3A_173 : f32
    %add3A_175 = arith.addf %add3A_143, %mul3A_174 : f32
    %get3A_176 = arith.constant 21 : i32
    %get3A_177 = arith.index_cast %get3A_176 : i32 to index
    %get3A_178 = memref.load %arg6[%get3A_177] : memref<128xf32, #tpu.memory_space<smem>>
    %get3A_179 = arith.constant 21 : i32
    %get3A_180 = arith.index_cast %get3A_179 : i32 to index
    %get3A_181 = memref.load %arg7[%get3A_180] : memref<128xf32, #tpu.memory_space<smem>>
    %mul3A_182 = arith.mulf %get3A_178, %get3A_181 : f32
    %add3A_183 = arith.addf %add3A_151, %mul3A_182 : f32
    %get3A_184 = arith.constant 22 : i32
    %get3A_185 = arith.index_cast %get3A_184 : i32 to index
    %get3A_186 = memref.load %arg6[%get3A_185] : memref<128xf32, #tpu.memory_space<smem>>
    %get3A_187 = arith.constant 22 : i32
    %get3A_188 = arith.index_cast %get3A_187 : i32 to index
    %get3A_189 = memref.load %arg7[%get3A_188] : memref<128xf32, #tpu.memory_space<smem>>
    %mul3A_190 = arith.mulf %get3A_186, %get3A_189 : f32
    %add3A_191 = arith.addf %add3A_159, %mul3A_190 : f32
    %get3A_192 = arith.constant 23 : i32
    %get3A_193 = arith.index_cast %get3A_192 : i32 to index
    %get3A_194 = memref.load %arg6[%get3A_193] : memref<128xf32, #tpu.memory_space<smem>>
    %get3A_195 = arith.constant 23 : i32
    %get3A_196 = arith.index_cast %get3A_195 : i32 to index
    %get3A_197 = memref.load %arg7[%get3A_196] : memref<128xf32, #tpu.memory_space<smem>>
    %mul3A_198 = arith.mulf %get3A_194, %get3A_197 : f32
    %add3A_199 = arith.addf %add3A_167, %mul3A_198 : f32
    %get3A_200 = arith.constant 24 : i32
    %get3A_201 = arith.index_cast %get3A_200 : i32 to index
    %get3A_202 = memref.load %arg6[%get3A_201] : memref<128xf32, #tpu.memory_space<smem>>
    %get3A_203 = arith.constant 24 : i32
    %get3A_204 = arith.index_cast %get3A_203 : i32 to index
    %get3A_205 = memref.load %arg7[%get3A_204] : memref<128xf32, #tpu.memory_space<smem>>
    %mul3A_206 = arith.mulf %get3A_202, %get3A_205 : f32
    %add3A_207 = arith.addf %add3A_175, %mul3A_206 : f32
    %get3A_208 = arith.constant 25 : i32
    %get3A_209 = arith.index_cast %get3A_208 : i32 to index
    %get3A_210 = memref.load %arg6[%get3A_209] : memref<128xf32, #tpu.memory_space<smem>>
    %get3A_211 = arith.constant 25 : i32
    %get3A_212 = arith.index_cast %get3A_211 : i32 to index
    %get3A_213 = memref.load %arg7[%get3A_212] : memref<128xf32, #tpu.memory_space<smem>>
    %mul3A_214 = arith.mulf %get3A_210, %get3A_213 : f32
    %add3A_215 = arith.addf %add3A_183, %mul3A_214 : f32
    %get3A_216 = arith.constant 26 : i32
    %get3A_217 = arith.index_cast %get3A_216 : i32 to index
    %get3A_218 = memref.load %arg6[%get3A_217] : memref<128xf32, #tpu.memory_space<smem>>
    %get3A_219 = arith.constant 26 : i32
    %get3A_220 = arith.index_cast %get3A_219 : i32 to index
    %get3A_221 = memref.load %arg7[%get3A_220] : memref<128xf32, #tpu.memory_space<smem>>
    %mul3A_222 = arith.mulf %get3A_218, %get3A_221 : f32
    %add3A_223 = arith.addf %add3A_191, %mul3A_222 : f32
    %get3A_224 = arith.constant 27 : i32
    %get3A_225 = arith.index_cast %get3A_224 : i32 to index
    %get3A_226 = memref.load %arg6[%get3A_225] : memref<128xf32, #tpu.memory_space<smem>>
    %get3A_227 = arith.constant 27 : i32
    %get3A_228 = arith.index_cast %get3A_227 : i32 to index
    %get3A_229 = memref.load %arg7[%get3A_228] : memref<128xf32, #tpu.memory_space<smem>>
    %mul3A_230 = arith.mulf %get3A_226, %get3A_229 : f32
    %add3A_231 = arith.addf %add3A_199, %mul3A_230 : f32
    %get3A_232 = arith.constant 28 : i32
    %get3A_233 = arith.index_cast %get3A_232 : i32 to index
    %get3A_234 = memref.load %arg6[%get3A_233] : memref<128xf32, #tpu.memory_space<smem>>
    %get3A_235 = arith.constant 28 : i32
    %get3A_236 = arith.index_cast %get3A_235 : i32 to index
    %get3A_237 = memref.load %arg7[%get3A_236] : memref<128xf32, #tpu.memory_space<smem>>
    %mul3A_238 = arith.mulf %get3A_234, %get3A_237 : f32
    %add3A_239 = arith.addf %add3A_207, %mul3A_238 : f32
    %get3A_240 = arith.constant 29 : i32
    %get3A_241 = arith.index_cast %get3A_240 : i32 to index
    %get3A_242 = memref.load %arg6[%get3A_241] : memref<128xf32, #tpu.memory_space<smem>>
    %get3A_243 = arith.constant 29 : i32
    %get3A_244 = arith.index_cast %get3A_243 : i32 to index
    %get3A_245 = memref.load %arg7[%get3A_244] : memref<128xf32, #tpu.memory_space<smem>>
    %mul3A_246 = arith.mulf %get3A_242, %get3A_245 : f32
    %add3A_247 = arith.addf %add3A_215, %mul3A_246 : f32
    %get3A_248 = arith.constant 30 : i32
    %get3A_249 = arith.index_cast %get3A_248 : i32 to index
    %get3A_250 = memref.load %arg6[%get3A_249] : memref<128xf32, #tpu.memory_space<smem>>
    %get3A_251 = arith.constant 30 : i32
    %get3A_252 = arith.index_cast %get3A_251 : i32 to index
    %get3A_253 = memref.load %arg7[%get3A_252] : memref<128xf32, #tpu.memory_space<smem>>
    %mul3A_254 = arith.mulf %get3A_250, %get3A_253 : f32
    %add3A_255 = arith.addf %add3A_223, %mul3A_254 : f32
    %get3A_256 = arith.constant 31 : i32
    %get3A_257 = arith.index_cast %get3A_256 : i32 to index
    %get3A_258 = memref.load %arg6[%get3A_257] : memref<128xf32, #tpu.memory_space<smem>>
    %get3A_259 = arith.constant 31 : i32
    %get3A_260 = arith.index_cast %get3A_259 : i32 to index
    %get3A_261 = memref.load %arg7[%get3A_260] : memref<128xf32, #tpu.memory_space<smem>>
    %mul3A_262 = arith.mulf %get3A_258, %get3A_261 : f32
    %add3A_263 = arith.addf %add3A_231, %mul3A_262 : f32
    %get3A_264 = arith.constant 32 : i32
    %get3A_265 = arith.index_cast %get3A_264 : i32 to index
    %get3A_266 = memref.load %arg6[%get3A_265] : memref<128xf32, #tpu.memory_space<smem>>
    %get3A_267 = arith.constant 32 : i32
    %get3A_268 = arith.index_cast %get3A_267 : i32 to index
    %get3A_269 = memref.load %arg7[%get3A_268] : memref<128xf32, #tpu.memory_space<smem>>
    %mul3A_270 = arith.mulf %get3A_266, %get3A_269 : f32
    %add3A_271 = arith.addf %add3A_239, %mul3A_270 : f32
    %get3A_272 = arith.constant 33 : i32
    %get3A_273 = arith.index_cast %get3A_272 : i32 to index
    %get3A_274 = memref.load %arg6[%get3A_273] : memref<128xf32, #tpu.memory_space<smem>>
    %get3A_275 = arith.constant 33 : i32
    %get3A_276 = arith.index_cast %get3A_275 : i32 to index
    %get3A_277 = memref.load %arg7[%get3A_276] : memref<128xf32, #tpu.memory_space<smem>>
    %mul3A_278 = arith.mulf %get3A_274, %get3A_277 : f32
    %add3A_279 = arith.addf %add3A_247, %mul3A_278 : f32
    %get3A_280 = arith.constant 34 : i32
    %get3A_281 = arith.index_cast %get3A_280 : i32 to index
    %get3A_282 = memref.load %arg6[%get3A_281] : memref<128xf32, #tpu.memory_space<smem>>
    %get3A_283 = arith.constant 34 : i32
    %get3A_284 = arith.index_cast %get3A_283 : i32 to index
    %get3A_285 = memref.load %arg7[%get3A_284] : memref<128xf32, #tpu.memory_space<smem>>
    %mul3A_286 = arith.mulf %get3A_282, %get3A_285 : f32
    %add3A_287 = arith.addf %add3A_255, %mul3A_286 : f32
    %get3A_288 = arith.constant 35 : i32
    %get3A_289 = arith.index_cast %get3A_288 : i32 to index
    %get3A_290 = memref.load %arg6[%get3A_289] : memref<128xf32, #tpu.memory_space<smem>>
    %get3A_291 = arith.constant 35 : i32
    %get3A_292 = arith.index_cast %get3A_291 : i32 to index
    %get3A_293 = memref.load %arg7[%get3A_292] : memref<128xf32, #tpu.memory_space<smem>>
    %mul3A_294 = arith.mulf %get3A_290, %get3A_293 : f32
    %add3A_295 = arith.addf %add3A_263, %mul3A_294 : f32
    %get3A_296 = arith.constant 36 : i32
    %get3A_297 = arith.index_cast %get3A_296 : i32 to index
    %get3A_298 = memref.load %arg6[%get3A_297] : memref<128xf32, #tpu.memory_space<smem>>
    %get3A_299 = arith.constant 36 : i32
    %get3A_300 = arith.index_cast %get3A_299 : i32 to index
    %get3A_301 = memref.load %arg7[%get3A_300] : memref<128xf32, #tpu.memory_space<smem>>
    %mul3A_302 = arith.mulf %get3A_298, %get3A_301 : f32
    %add3A_303 = arith.addf %add3A_271, %mul3A_302 : f32
    %get3A_304 = arith.constant 37 : i32
    %get3A_305 = arith.index_cast %get3A_304 : i32 to index
    %get3A_306 = memref.load %arg6[%get3A_305] : memref<128xf32, #tpu.memory_space<smem>>
    %get3A_307 = arith.constant 37 : i32
    %get3A_308 = arith.index_cast %get3A_307 : i32 to index
    %get3A_309 = memref.load %arg7[%get3A_308] : memref<128xf32, #tpu.memory_space<smem>>
    %mul3A_310 = arith.mulf %get3A_306, %get3A_309 : f32
    %add3A_311 = arith.addf %add3A_279, %mul3A_310 : f32
    %get3A_312 = arith.constant 38 : i32
    %get3A_313 = arith.index_cast %get3A_312 : i32 to index
    %get3A_314 = memref.load %arg6[%get3A_313] : memref<128xf32, #tpu.memory_space<smem>>
    %get3A_315 = arith.constant 38 : i32
    %get3A_316 = arith.index_cast %get3A_315 : i32 to index
    %get3A_317 = memref.load %arg7[%get3A_316] : memref<128xf32, #tpu.memory_space<smem>>
    %mul3A_318 = arith.mulf %get3A_314, %get3A_317 : f32
    %add3A_319 = arith.addf %add3A_287, %mul3A_318 : f32
    %get3A_320 = arith.constant 39 : i32
    %get3A_321 = arith.index_cast %get3A_320 : i32 to index
    %get3A_322 = memref.load %arg6[%get3A_321] : memref<128xf32, #tpu.memory_space<smem>>
    %get3A_323 = arith.constant 39 : i32
    %get3A_324 = arith.index_cast %get3A_323 : i32 to index
    %get3A_325 = memref.load %arg7[%get3A_324] : memref<128xf32, #tpu.memory_space<smem>>
    %mul3A_326 = arith.mulf %get3A_322, %get3A_325 : f32
    %add3A_327 = arith.addf %add3A_295, %mul3A_326 : f32
    %get3A_328 = arith.constant 40 : i32
    %get3A_329 = arith.index_cast %get3A_328 : i32 to index
    %get3A_330 = memref.load %arg6[%get3A_329] : memref<128xf32, #tpu.memory_space<smem>>
    %get3A_331 = arith.constant 40 : i32
    %get3A_332 = arith.index_cast %get3A_331 : i32 to index
    %get3A_333 = memref.load %arg7[%get3A_332] : memref<128xf32, #tpu.memory_space<smem>>
    %mul3A_334 = arith.mulf %get3A_330, %get3A_333 : f32
    %add3A_335 = arith.addf %add3A_303, %mul3A_334 : f32
    %get3A_336 = arith.constant 41 : i32
    %get3A_337 = arith.index_cast %get3A_336 : i32 to index
    %get3A_338 = memref.load %arg6[%get3A_337] : memref<128xf32, #tpu.memory_space<smem>>
    %get3A_339 = arith.constant 41 : i32
    %get3A_340 = arith.index_cast %get3A_339 : i32 to index
    %get3A_341 = memref.load %arg7[%get3A_340] : memref<128xf32, #tpu.memory_space<smem>>
    %mul3A_342 = arith.mulf %get3A_338, %get3A_341 : f32
    %add3A_343 = arith.addf %add3A_311, %mul3A_342 : f32
    %get3A_344 = arith.constant 42 : i32
    %get3A_345 = arith.index_cast %get3A_344 : i32 to index
    %get3A_346 = memref.load %arg6[%get3A_345] : memref<128xf32, #tpu.memory_space<smem>>
    %get3A_347 = arith.constant 42 : i32
    %get3A_348 = arith.index_cast %get3A_347 : i32 to index
    %get3A_349 = memref.load %arg7[%get3A_348] : memref<128xf32, #tpu.memory_space<smem>>
    %mul3A_350 = arith.mulf %get3A_346, %get3A_349 : f32
    %add3A_351 = arith.addf %add3A_319, %mul3A_350 : f32
    %get3A_352 = arith.constant 43 : i32
    %get3A_353 = arith.index_cast %get3A_352 : i32 to index
    %get3A_354 = memref.load %arg6[%get3A_353] : memref<128xf32, #tpu.memory_space<smem>>
    %get3A_355 = arith.constant 43 : i32
    %get3A_356 = arith.index_cast %get3A_355 : i32 to index
    %get3A_357 = memref.load %arg7[%get3A_356] : memref<128xf32, #tpu.memory_space<smem>>
    %mul3A_358 = arith.mulf %get3A_354, %get3A_357 : f32
    %add3A_359 = arith.addf %add3A_327, %mul3A_358 : f32
    %get3A_360 = arith.constant 44 : i32
    %get3A_361 = arith.index_cast %get3A_360 : i32 to index
    %get3A_362 = memref.load %arg6[%get3A_361] : memref<128xf32, #tpu.memory_space<smem>>
    %get3A_363 = arith.constant 44 : i32
    %get3A_364 = arith.index_cast %get3A_363 : i32 to index
    %get3A_365 = memref.load %arg7[%get3A_364] : memref<128xf32, #tpu.memory_space<smem>>
    %mul3A_366 = arith.mulf %get3A_362, %get3A_365 : f32
    %add3A_367 = arith.addf %add3A_335, %mul3A_366 : f32
    %get3A_368 = arith.constant 45 : i32
    %get3A_369 = arith.index_cast %get3A_368 : i32 to index
    %get3A_370 = memref.load %arg6[%get3A_369] : memref<128xf32, #tpu.memory_space<smem>>
    %get3A_371 = arith.constant 45 : i32
    %get3A_372 = arith.index_cast %get3A_371 : i32 to index
    %get3A_373 = memref.load %arg7[%get3A_372] : memref<128xf32, #tpu.memory_space<smem>>
    %mul3A_374 = arith.mulf %get3A_370, %get3A_373 : f32
    %add3A_375 = arith.addf %add3A_343, %mul3A_374 : f32
    %get3A_376 = arith.constant 46 : i32
    %get3A_377 = arith.index_cast %get3A_376 : i32 to index
    %get3A_378 = memref.load %arg6[%get3A_377] : memref<128xf32, #tpu.memory_space<smem>>
    %get3A_379 = arith.constant 46 : i32
    %get3A_380 = arith.index_cast %get3A_379 : i32 to index
    %get3A_381 = memref.load %arg7[%get3A_380] : memref<128xf32, #tpu.memory_space<smem>>
    %mul3A_382 = arith.mulf %get3A_378, %get3A_381 : f32
    %add3A_383 = arith.addf %add3A_351, %mul3A_382 : f32
    %get3A_384 = arith.constant 47 : i32
    %get3A_385 = arith.index_cast %get3A_384 : i32 to index
    %get3A_386 = memref.load %arg6[%get3A_385] : memref<128xf32, #tpu.memory_space<smem>>
    %get3A_387 = arith.constant 47 : i32
    %get3A_388 = arith.index_cast %get3A_387 : i32 to index
    %get3A_389 = memref.load %arg7[%get3A_388] : memref<128xf32, #tpu.memory_space<smem>>
    %mul3A_390 = arith.mulf %get3A_386, %get3A_389 : f32
    %add3A_391 = arith.addf %add3A_359, %mul3A_390 : f32
    %get3A_392 = arith.constant 48 : i32
    %get3A_393 = arith.index_cast %get3A_392 : i32 to index
    %get3A_394 = memref.load %arg6[%get3A_393] : memref<128xf32, #tpu.memory_space<smem>>
    %get3A_395 = arith.constant 48 : i32
    %get3A_396 = arith.index_cast %get3A_395 : i32 to index
    %get3A_397 = memref.load %arg7[%get3A_396] : memref<128xf32, #tpu.memory_space<smem>>
    %mul3A_398 = arith.mulf %get3A_394, %get3A_397 : f32
    %add3A_399 = arith.addf %add3A_367, %mul3A_398 : f32
    %get3A_400 = arith.constant 49 : i32
    %get3A_401 = arith.index_cast %get3A_400 : i32 to index
    %get3A_402 = memref.load %arg6[%get3A_401] : memref<128xf32, #tpu.memory_space<smem>>
    %get3A_403 = arith.constant 49 : i32
    %get3A_404 = arith.index_cast %get3A_403 : i32 to index
    %get3A_405 = memref.load %arg7[%get3A_404] : memref<128xf32, #tpu.memory_space<smem>>
    %mul3A_406 = arith.mulf %get3A_402, %get3A_405 : f32
    %add3A_407 = arith.addf %add3A_375, %mul3A_406 : f32
    %get3A_408 = arith.constant 50 : i32
    %get3A_409 = arith.index_cast %get3A_408 : i32 to index
    %get3A_410 = memref.load %arg6[%get3A_409] : memref<128xf32, #tpu.memory_space<smem>>
    %get3A_411 = arith.constant 50 : i32
    %get3A_412 = arith.index_cast %get3A_411 : i32 to index
    %get3A_413 = memref.load %arg7[%get3A_412] : memref<128xf32, #tpu.memory_space<smem>>
    %mul3A_414 = arith.mulf %get3A_410, %get3A_413 : f32
    %add3A_415 = arith.addf %add3A_383, %mul3A_414 : f32
    %get3A_416 = arith.constant 51 : i32
    %get3A_417 = arith.index_cast %get3A_416 : i32 to index
    %get3A_418 = memref.load %arg6[%get3A_417] : memref<128xf32, #tpu.memory_space<smem>>
    %get3A_419 = arith.constant 51 : i32
    %get3A_420 = arith.index_cast %get3A_419 : i32 to index
    %get3A_421 = memref.load %arg7[%get3A_420] : memref<128xf32, #tpu.memory_space<smem>>
    %mul3A_422 = arith.mulf %get3A_418, %get3A_421 : f32
    %add3A_423 = arith.addf %add3A_391, %mul3A_422 : f32
    %get3A_424 = arith.constant 52 : i32
    %get3A_425 = arith.index_cast %get3A_424 : i32 to index
    %get3A_426 = memref.load %arg6[%get3A_425] : memref<128xf32, #tpu.memory_space<smem>>
    %get3A_427 = arith.constant 52 : i32
    %get3A_428 = arith.index_cast %get3A_427 : i32 to index
    %get3A_429 = memref.load %arg7[%get3A_428] : memref<128xf32, #tpu.memory_space<smem>>
    %mul3A_430 = arith.mulf %get3A_426, %get3A_429 : f32
    %add3A_431 = arith.addf %add3A_399, %mul3A_430 : f32
    %get3A_432 = arith.constant 53 : i32
    %get3A_433 = arith.index_cast %get3A_432 : i32 to index
    %get3A_434 = memref.load %arg6[%get3A_433] : memref<128xf32, #tpu.memory_space<smem>>
    %get3A_435 = arith.constant 53 : i32
    %get3A_436 = arith.index_cast %get3A_435 : i32 to index
    %get3A_437 = memref.load %arg7[%get3A_436] : memref<128xf32, #tpu.memory_space<smem>>
    %mul3A_438 = arith.mulf %get3A_434, %get3A_437 : f32
    %add3A_439 = arith.addf %add3A_407, %mul3A_438 : f32
    %get3A_440 = arith.constant 54 : i32
    %get3A_441 = arith.index_cast %get3A_440 : i32 to index
    %get3A_442 = memref.load %arg6[%get3A_441] : memref<128xf32, #tpu.memory_space<smem>>
    %get3A_443 = arith.constant 54 : i32
    %get3A_444 = arith.index_cast %get3A_443 : i32 to index
    %get3A_445 = memref.load %arg7[%get3A_444] : memref<128xf32, #tpu.memory_space<smem>>
    %mul3A_446 = arith.mulf %get3A_442, %get3A_445 : f32
    %add3A_447 = arith.addf %add3A_415, %mul3A_446 : f32
    %get3A_448 = arith.constant 55 : i32
    %get3A_449 = arith.index_cast %get3A_448 : i32 to index
    %get3A_450 = memref.load %arg6[%get3A_449] : memref<128xf32, #tpu.memory_space<smem>>
    %get3A_451 = arith.constant 55 : i32
    %get3A_452 = arith.index_cast %get3A_451 : i32 to index
    %get3A_453 = memref.load %arg7[%get3A_452] : memref<128xf32, #tpu.memory_space<smem>>
    %mul3A_454 = arith.mulf %get3A_450, %get3A_453 : f32
    %add3A_455 = arith.addf %add3A_423, %mul3A_454 : f32
    %get3A_456 = arith.constant 56 : i32
    %get3A_457 = arith.index_cast %get3A_456 : i32 to index
    %get3A_458 = memref.load %arg6[%get3A_457] : memref<128xf32, #tpu.memory_space<smem>>
    %get3A_459 = arith.constant 56 : i32
    %get3A_460 = arith.index_cast %get3A_459 : i32 to index
    %get3A_461 = memref.load %arg7[%get3A_460] : memref<128xf32, #tpu.memory_space<smem>>
    %mul3A_462 = arith.mulf %get3A_458, %get3A_461 : f32
    %add3A_463 = arith.addf %add3A_431, %mul3A_462 : f32
    %get3A_464 = arith.constant 57 : i32
    %get3A_465 = arith.index_cast %get3A_464 : i32 to index
    %get3A_466 = memref.load %arg6[%get3A_465] : memref<128xf32, #tpu.memory_space<smem>>
    %get3A_467 = arith.constant 57 : i32
    %get3A_468 = arith.index_cast %get3A_467 : i32 to index
    %get3A_469 = memref.load %arg7[%get3A_468] : memref<128xf32, #tpu.memory_space<smem>>
    %mul3A_470 = arith.mulf %get3A_466, %get3A_469 : f32
    %add3A_471 = arith.addf %add3A_439, %mul3A_470 : f32
    %get3A_472 = arith.constant 58 : i32
    %get3A_473 = arith.index_cast %get3A_472 : i32 to index
    %get3A_474 = memref.load %arg6[%get3A_473] : memref<128xf32, #tpu.memory_space<smem>>
    %get3A_475 = arith.constant 58 : i32
    %get3A_476 = arith.index_cast %get3A_475 : i32 to index
    %get3A_477 = memref.load %arg7[%get3A_476] : memref<128xf32, #tpu.memory_space<smem>>
    %mul3A_478 = arith.mulf %get3A_474, %get3A_477 : f32
    %add3A_479 = arith.addf %add3A_447, %mul3A_478 : f32
    %get3A_480 = arith.constant 59 : i32
    %get3A_481 = arith.index_cast %get3A_480 : i32 to index
    %get3A_482 = memref.load %arg6[%get3A_481] : memref<128xf32, #tpu.memory_space<smem>>
    %get3A_483 = arith.constant 59 : i32
    %get3A_484 = arith.index_cast %get3A_483 : i32 to index
    %get3A_485 = memref.load %arg7[%get3A_484] : memref<128xf32, #tpu.memory_space<smem>>
    %mul3A_486 = arith.mulf %get3A_482, %get3A_485 : f32
    %add3A_487 = arith.addf %add3A_455, %mul3A_486 : f32
    %get3A_488 = arith.constant 60 : i32
    %get3A_489 = arith.index_cast %get3A_488 : i32 to index
    %get3A_490 = memref.load %arg6[%get3A_489] : memref<128xf32, #tpu.memory_space<smem>>
    %get3A_491 = arith.constant 60 : i32
    %get3A_492 = arith.index_cast %get3A_491 : i32 to index
    %get3A_493 = memref.load %arg7[%get3A_492] : memref<128xf32, #tpu.memory_space<smem>>
    %mul3A_494 = arith.mulf %get3A_490, %get3A_493 : f32
    %add3A_495 = arith.addf %add3A_463, %mul3A_494 : f32
    %get3A_496 = arith.constant 61 : i32
    %get3A_497 = arith.index_cast %get3A_496 : i32 to index
    %get3A_498 = memref.load %arg6[%get3A_497] : memref<128xf32, #tpu.memory_space<smem>>
    %get3A_499 = arith.constant 61 : i32
    %get3A_500 = arith.index_cast %get3A_499 : i32 to index
    %get3A_501 = memref.load %arg7[%get3A_500] : memref<128xf32, #tpu.memory_space<smem>>
    %mul3A_502 = arith.mulf %get3A_498, %get3A_501 : f32
    %add3A_503 = arith.addf %add3A_471, %mul3A_502 : f32
    %get3A_504 = arith.constant 62 : i32
    %get3A_505 = arith.index_cast %get3A_504 : i32 to index
    %get3A_506 = memref.load %arg6[%get3A_505] : memref<128xf32, #tpu.memory_space<smem>>
    %get3A_507 = arith.constant 62 : i32
    %get3A_508 = arith.index_cast %get3A_507 : i32 to index
    %get3A_509 = memref.load %arg7[%get3A_508] : memref<128xf32, #tpu.memory_space<smem>>
    %mul3A_510 = arith.mulf %get3A_506, %get3A_509 : f32
    %add3A_511 = arith.addf %add3A_479, %mul3A_510 : f32
    %get3A_512 = arith.constant 63 : i32
    %get3A_513 = arith.index_cast %get3A_512 : i32 to index
    %get3A_514 = memref.load %arg6[%get3A_513] : memref<128xf32, #tpu.memory_space<smem>>
    %get3A_515 = arith.constant 63 : i32
    %get3A_516 = arith.index_cast %get3A_515 : i32 to index
    %get3A_517 = memref.load %arg7[%get3A_516] : memref<128xf32, #tpu.memory_space<smem>>
    %mul3A_518 = arith.mulf %get3A_514, %get3A_517 : f32
    %add3A_519 = arith.addf %add3A_487, %mul3A_518 : f32
    %get3A_520 = arith.constant 64 : i32
    %get3A_521 = arith.index_cast %get3A_520 : i32 to index
    %get3A_522 = memref.load %arg6[%get3A_521] : memref<128xf32, #tpu.memory_space<smem>>
    %get3A_523 = arith.constant 64 : i32
    %get3A_524 = arith.index_cast %get3A_523 : i32 to index
    %get3A_525 = memref.load %arg7[%get3A_524] : memref<128xf32, #tpu.memory_space<smem>>
    %mul3A_526 = arith.mulf %get3A_522, %get3A_525 : f32
    %add3A_527 = arith.addf %add3A_495, %mul3A_526 : f32
    %get3A_528 = arith.constant 65 : i32
    %get3A_529 = arith.index_cast %get3A_528 : i32 to index
    %get3A_530 = memref.load %arg6[%get3A_529] : memref<128xf32, #tpu.memory_space<smem>>
    %get3A_531 = arith.constant 65 : i32
    %get3A_532 = arith.index_cast %get3A_531 : i32 to index
    %get3A_533 = memref.load %arg7[%get3A_532] : memref<128xf32, #tpu.memory_space<smem>>
    %mul3A_534 = arith.mulf %get3A_530, %get3A_533 : f32
    %add3A_535 = arith.addf %add3A_503, %mul3A_534 : f32
    %get3A_536 = arith.constant 66 : i32
    %get3A_537 = arith.index_cast %get3A_536 : i32 to index
    %get3A_538 = memref.load %arg6[%get3A_537] : memref<128xf32, #tpu.memory_space<smem>>
    %get3A_539 = arith.constant 66 : i32
    %get3A_540 = arith.index_cast %get3A_539 : i32 to index
    %get3A_541 = memref.load %arg7[%get3A_540] : memref<128xf32, #tpu.memory_space<smem>>
    %mul3A_542 = arith.mulf %get3A_538, %get3A_541 : f32
    %add3A_543 = arith.addf %add3A_511, %mul3A_542 : f32
    %get3A_544 = arith.constant 67 : i32
    %get3A_545 = arith.index_cast %get3A_544 : i32 to index
    %get3A_546 = memref.load %arg6[%get3A_545] : memref<128xf32, #tpu.memory_space<smem>>
    %get3A_547 = arith.constant 67 : i32
    %get3A_548 = arith.index_cast %get3A_547 : i32 to index
    %get3A_549 = memref.load %arg7[%get3A_548] : memref<128xf32, #tpu.memory_space<smem>>
    %mul3A_550 = arith.mulf %get3A_546, %get3A_549 : f32
    %add3A_551 = arith.addf %add3A_519, %mul3A_550 : f32
    %get3A_552 = arith.constant 68 : i32
    %get3A_553 = arith.index_cast %get3A_552 : i32 to index
    %get3A_554 = memref.load %arg6[%get3A_553] : memref<128xf32, #tpu.memory_space<smem>>
    %get3A_555 = arith.constant 68 : i32
    %get3A_556 = arith.index_cast %get3A_555 : i32 to index
    %get3A_557 = memref.load %arg7[%get3A_556] : memref<128xf32, #tpu.memory_space<smem>>
    %mul3A_558 = arith.mulf %get3A_554, %get3A_557 : f32
    %add3A_559 = arith.addf %add3A_527, %mul3A_558 : f32
    %get3A_560 = arith.constant 69 : i32
    %get3A_561 = arith.index_cast %get3A_560 : i32 to index
    %get3A_562 = memref.load %arg6[%get3A_561] : memref<128xf32, #tpu.memory_space<smem>>
    %get3A_563 = arith.constant 69 : i32
    %get3A_564 = arith.index_cast %get3A_563 : i32 to index
    %get3A_565 = memref.load %arg7[%get3A_564] : memref<128xf32, #tpu.memory_space<smem>>
    %mul3A_566 = arith.mulf %get3A_562, %get3A_565 : f32
    %add3A_567 = arith.addf %add3A_535, %mul3A_566 : f32
    %get3A_568 = arith.constant 70 : i32
    %get3A_569 = arith.index_cast %get3A_568 : i32 to index
    %get3A_570 = memref.load %arg6[%get3A_569] : memref<128xf32, #tpu.memory_space<smem>>
    %get3A_571 = arith.constant 70 : i32
    %get3A_572 = arith.index_cast %get3A_571 : i32 to index
    %get3A_573 = memref.load %arg7[%get3A_572] : memref<128xf32, #tpu.memory_space<smem>>
    %mul3A_574 = arith.mulf %get3A_570, %get3A_573 : f32
    %add3A_575 = arith.addf %add3A_543, %mul3A_574 : f32
    %get3A_576 = arith.constant 71 : i32
    %get3A_577 = arith.index_cast %get3A_576 : i32 to index
    %get3A_578 = memref.load %arg6[%get3A_577] : memref<128xf32, #tpu.memory_space<smem>>
    %get3A_579 = arith.constant 71 : i32
    %get3A_580 = arith.index_cast %get3A_579 : i32 to index
    %get3A_581 = memref.load %arg7[%get3A_580] : memref<128xf32, #tpu.memory_space<smem>>
    %mul3A_582 = arith.mulf %get3A_578, %get3A_581 : f32
    %add3A_583 = arith.addf %add3A_551, %mul3A_582 : f32
    %get3A_584 = arith.constant 72 : i32
    %get3A_585 = arith.index_cast %get3A_584 : i32 to index
    %get3A_586 = memref.load %arg6[%get3A_585] : memref<128xf32, #tpu.memory_space<smem>>
    %get3A_587 = arith.constant 72 : i32
    %get3A_588 = arith.index_cast %get3A_587 : i32 to index
    %get3A_589 = memref.load %arg7[%get3A_588] : memref<128xf32, #tpu.memory_space<smem>>
    %mul3A_590 = arith.mulf %get3A_586, %get3A_589 : f32
    %add3A_591 = arith.addf %add3A_559, %mul3A_590 : f32
    %get3A_592 = arith.constant 73 : i32
    %get3A_593 = arith.index_cast %get3A_592 : i32 to index
    %get3A_594 = memref.load %arg6[%get3A_593] : memref<128xf32, #tpu.memory_space<smem>>
    %get3A_595 = arith.constant 73 : i32
    %get3A_596 = arith.index_cast %get3A_595 : i32 to index
    %get3A_597 = memref.load %arg7[%get3A_596] : memref<128xf32, #tpu.memory_space<smem>>
    %mul3A_598 = arith.mulf %get3A_594, %get3A_597 : f32
    %add3A_599 = arith.addf %add3A_567, %mul3A_598 : f32
    %get3A_600 = arith.constant 74 : i32
    %get3A_601 = arith.index_cast %get3A_600 : i32 to index
    %get3A_602 = memref.load %arg6[%get3A_601] : memref<128xf32, #tpu.memory_space<smem>>
    %get3A_603 = arith.constant 74 : i32
    %get3A_604 = arith.index_cast %get3A_603 : i32 to index
    %get3A_605 = memref.load %arg7[%get3A_604] : memref<128xf32, #tpu.memory_space<smem>>
    %mul3A_606 = arith.mulf %get3A_602, %get3A_605 : f32
    %add3A_607 = arith.addf %add3A_575, %mul3A_606 : f32
    %get3A_608 = arith.constant 75 : i32
    %get3A_609 = arith.index_cast %get3A_608 : i32 to index
    %get3A_610 = memref.load %arg6[%get3A_609] : memref<128xf32, #tpu.memory_space<smem>>
    %get3A_611 = arith.constant 75 : i32
    %get3A_612 = arith.index_cast %get3A_611 : i32 to index
    %get3A_613 = memref.load %arg7[%get3A_612] : memref<128xf32, #tpu.memory_space<smem>>
    %mul3A_614 = arith.mulf %get3A_610, %get3A_613 : f32
    %add3A_615 = arith.addf %add3A_583, %mul3A_614 : f32
    %get3A_616 = arith.constant 76 : i32
    %get3A_617 = arith.index_cast %get3A_616 : i32 to index
    %get3A_618 = memref.load %arg6[%get3A_617] : memref<128xf32, #tpu.memory_space<smem>>
    %get3A_619 = arith.constant 76 : i32
    %get3A_620 = arith.index_cast %get3A_619 : i32 to index
    %get3A_621 = memref.load %arg7[%get3A_620] : memref<128xf32, #tpu.memory_space<smem>>
    %mul3A_622 = arith.mulf %get3A_618, %get3A_621 : f32
    %add3A_623 = arith.addf %add3A_591, %mul3A_622 : f32
    %get3A_624 = arith.constant 77 : i32
    %get3A_625 = arith.index_cast %get3A_624 : i32 to index
    %get3A_626 = memref.load %arg6[%get3A_625] : memref<128xf32, #tpu.memory_space<smem>>
    %get3A_627 = arith.constant 77 : i32
    %get3A_628 = arith.index_cast %get3A_627 : i32 to index
    %get3A_629 = memref.load %arg7[%get3A_628] : memref<128xf32, #tpu.memory_space<smem>>
    %mul3A_630 = arith.mulf %get3A_626, %get3A_629 : f32
    %add3A_631 = arith.addf %add3A_599, %mul3A_630 : f32
    %get3A_632 = arith.constant 78 : i32
    %get3A_633 = arith.index_cast %get3A_632 : i32 to index
    %get3A_634 = memref.load %arg6[%get3A_633] : memref<128xf32, #tpu.memory_space<smem>>
    %get3A_635 = arith.constant 78 : i32
    %get3A_636 = arith.index_cast %get3A_635 : i32 to index
    %get3A_637 = memref.load %arg7[%get3A_636] : memref<128xf32, #tpu.memory_space<smem>>
    %mul3A_638 = arith.mulf %get3A_634, %get3A_637 : f32
    %add3A_639 = arith.addf %add3A_607, %mul3A_638 : f32
    %get3A_640 = arith.constant 79 : i32
    %get3A_641 = arith.index_cast %get3A_640 : i32 to index
    %get3A_642 = memref.load %arg6[%get3A_641] : memref<128xf32, #tpu.memory_space<smem>>
    %get3A_643 = arith.constant 79 : i32
    %get3A_644 = arith.index_cast %get3A_643 : i32 to index
    %get3A_645 = memref.load %arg7[%get3A_644] : memref<128xf32, #tpu.memory_space<smem>>
    %mul3A_646 = arith.mulf %get3A_642, %get3A_645 : f32
    %add3A_647 = arith.addf %add3A_615, %mul3A_646 : f32
    %get3A_648 = arith.constant 80 : i32
    %get3A_649 = arith.index_cast %get3A_648 : i32 to index
    %get3A_650 = memref.load %arg6[%get3A_649] : memref<128xf32, #tpu.memory_space<smem>>
    %get3A_651 = arith.constant 80 : i32
    %get3A_652 = arith.index_cast %get3A_651 : i32 to index
    %get3A_653 = memref.load %arg7[%get3A_652] : memref<128xf32, #tpu.memory_space<smem>>
    %mul3A_654 = arith.mulf %get3A_650, %get3A_653 : f32
    %add3A_655 = arith.addf %add3A_623, %mul3A_654 : f32
    %get3A_656 = arith.constant 81 : i32
    %get3A_657 = arith.index_cast %get3A_656 : i32 to index
    %get3A_658 = memref.load %arg6[%get3A_657] : memref<128xf32, #tpu.memory_space<smem>>
    %get3A_659 = arith.constant 81 : i32
    %get3A_660 = arith.index_cast %get3A_659 : i32 to index
    %get3A_661 = memref.load %arg7[%get3A_660] : memref<128xf32, #tpu.memory_space<smem>>
    %mul3A_662 = arith.mulf %get3A_658, %get3A_661 : f32
    %add3A_663 = arith.addf %add3A_631, %mul3A_662 : f32
    %get3A_664 = arith.constant 82 : i32
    %get3A_665 = arith.index_cast %get3A_664 : i32 to index
    %get3A_666 = memref.load %arg6[%get3A_665] : memref<128xf32, #tpu.memory_space<smem>>
    %get3A_667 = arith.constant 82 : i32
    %get3A_668 = arith.index_cast %get3A_667 : i32 to index
    %get3A_669 = memref.load %arg7[%get3A_668] : memref<128xf32, #tpu.memory_space<smem>>
    %mul3A_670 = arith.mulf %get3A_666, %get3A_669 : f32
    %add3A_671 = arith.addf %add3A_639, %mul3A_670 : f32
    %get3A_672 = arith.constant 83 : i32
    %get3A_673 = arith.index_cast %get3A_672 : i32 to index
    %get3A_674 = memref.load %arg6[%get3A_673] : memref<128xf32, #tpu.memory_space<smem>>
    %get3A_675 = arith.constant 83 : i32
    %get3A_676 = arith.index_cast %get3A_675 : i32 to index
    %get3A_677 = memref.load %arg7[%get3A_676] : memref<128xf32, #tpu.memory_space<smem>>
    %mul3A_678 = arith.mulf %get3A_674, %get3A_677 : f32
    %add3A_679 = arith.addf %add3A_647, %mul3A_678 : f32
    %get3A_680 = arith.constant 84 : i32
    %get3A_681 = arith.index_cast %get3A_680 : i32 to index
    %get3A_682 = memref.load %arg6[%get3A_681] : memref<128xf32, #tpu.memory_space<smem>>
    %get3A_683 = arith.constant 84 : i32
    %get3A_684 = arith.index_cast %get3A_683 : i32 to index
    %get3A_685 = memref.load %arg7[%get3A_684] : memref<128xf32, #tpu.memory_space<smem>>
    %mul3A_686 = arith.mulf %get3A_682, %get3A_685 : f32
    %add3A_687 = arith.addf %add3A_655, %mul3A_686 : f32
    %get3A_688 = arith.constant 85 : i32
    %get3A_689 = arith.index_cast %get3A_688 : i32 to index
    %get3A_690 = memref.load %arg6[%get3A_689] : memref<128xf32, #tpu.memory_space<smem>>
    %get3A_691 = arith.constant 85 : i32
    %get3A_692 = arith.index_cast %get3A_691 : i32 to index
    %get3A_693 = memref.load %arg7[%get3A_692] : memref<128xf32, #tpu.memory_space<smem>>
    %mul3A_694 = arith.mulf %get3A_690, %get3A_693 : f32
    %add3A_695 = arith.addf %add3A_663, %mul3A_694 : f32
    %get3A_696 = arith.constant 86 : i32
    %get3A_697 = arith.index_cast %get3A_696 : i32 to index
    %get3A_698 = memref.load %arg6[%get3A_697] : memref<128xf32, #tpu.memory_space<smem>>
    %get3A_699 = arith.constant 86 : i32
    %get3A_700 = arith.index_cast %get3A_699 : i32 to index
    %get3A_701 = memref.load %arg7[%get3A_700] : memref<128xf32, #tpu.memory_space<smem>>
    %mul3A_702 = arith.mulf %get3A_698, %get3A_701 : f32
    %add3A_703 = arith.addf %add3A_671, %mul3A_702 : f32
    %get3A_704 = arith.constant 87 : i32
    %get3A_705 = arith.index_cast %get3A_704 : i32 to index
    %get3A_706 = memref.load %arg6[%get3A_705] : memref<128xf32, #tpu.memory_space<smem>>
    %get3A_707 = arith.constant 87 : i32
    %get3A_708 = arith.index_cast %get3A_707 : i32 to index
    %get3A_709 = memref.load %arg7[%get3A_708] : memref<128xf32, #tpu.memory_space<smem>>
    %mul3A_710 = arith.mulf %get3A_706, %get3A_709 : f32
    %add3A_711 = arith.addf %add3A_679, %mul3A_710 : f32
    %get3A_712 = arith.constant 88 : i32
    %get3A_713 = arith.index_cast %get3A_712 : i32 to index
    %get3A_714 = memref.load %arg6[%get3A_713] : memref<128xf32, #tpu.memory_space<smem>>
    %get3A_715 = arith.constant 88 : i32
    %get3A_716 = arith.index_cast %get3A_715 : i32 to index
    %get3A_717 = memref.load %arg7[%get3A_716] : memref<128xf32, #tpu.memory_space<smem>>
    %mul3A_718 = arith.mulf %get3A_714, %get3A_717 : f32
    %add3A_719 = arith.addf %add3A_687, %mul3A_718 : f32
    %get3A_720 = arith.constant 89 : i32
    %get3A_721 = arith.index_cast %get3A_720 : i32 to index
    %get3A_722 = memref.load %arg6[%get3A_721] : memref<128xf32, #tpu.memory_space<smem>>
    %get3A_723 = arith.constant 89 : i32
    %get3A_724 = arith.index_cast %get3A_723 : i32 to index
    %get3A_725 = memref.load %arg7[%get3A_724] : memref<128xf32, #tpu.memory_space<smem>>
    %mul3A_726 = arith.mulf %get3A_722, %get3A_725 : f32
    %add3A_727 = arith.addf %add3A_695, %mul3A_726 : f32
    %get3A_728 = arith.constant 90 : i32
    %get3A_729 = arith.index_cast %get3A_728 : i32 to index
    %get3A_730 = memref.load %arg6[%get3A_729] : memref<128xf32, #tpu.memory_space<smem>>
    %get3A_731 = arith.constant 90 : i32
    %get3A_732 = arith.index_cast %get3A_731 : i32 to index
    %get3A_733 = memref.load %arg7[%get3A_732] : memref<128xf32, #tpu.memory_space<smem>>
    %mul3A_734 = arith.mulf %get3A_730, %get3A_733 : f32
    %add3A_735 = arith.addf %add3A_703, %mul3A_734 : f32
    %get3A_736 = arith.constant 91 : i32
    %get3A_737 = arith.index_cast %get3A_736 : i32 to index
    %get3A_738 = memref.load %arg6[%get3A_737] : memref<128xf32, #tpu.memory_space<smem>>
    %get3A_739 = arith.constant 91 : i32
    %get3A_740 = arith.index_cast %get3A_739 : i32 to index
    %get3A_741 = memref.load %arg7[%get3A_740] : memref<128xf32, #tpu.memory_space<smem>>
    %mul3A_742 = arith.mulf %get3A_738, %get3A_741 : f32
    %add3A_743 = arith.addf %add3A_711, %mul3A_742 : f32
    %get3A_744 = arith.constant 92 : i32
    %get3A_745 = arith.index_cast %get3A_744 : i32 to index
    %get3A_746 = memref.load %arg6[%get3A_745] : memref<128xf32, #tpu.memory_space<smem>>
    %get3A_747 = arith.constant 92 : i32
    %get3A_748 = arith.index_cast %get3A_747 : i32 to index
    %get3A_749 = memref.load %arg7[%get3A_748] : memref<128xf32, #tpu.memory_space<smem>>
    %mul3A_750 = arith.mulf %get3A_746, %get3A_749 : f32
    %add3A_751 = arith.addf %add3A_719, %mul3A_750 : f32
    %get3A_752 = arith.constant 93 : i32
    %get3A_753 = arith.index_cast %get3A_752 : i32 to index
    %get3A_754 = memref.load %arg6[%get3A_753] : memref<128xf32, #tpu.memory_space<smem>>
    %get3A_755 = arith.constant 93 : i32
    %get3A_756 = arith.index_cast %get3A_755 : i32 to index
    %get3A_757 = memref.load %arg7[%get3A_756] : memref<128xf32, #tpu.memory_space<smem>>
    %mul3A_758 = arith.mulf %get3A_754, %get3A_757 : f32
    %add3A_759 = arith.addf %add3A_727, %mul3A_758 : f32
    %get3A_760 = arith.constant 94 : i32
    %get3A_761 = arith.index_cast %get3A_760 : i32 to index
    %get3A_762 = memref.load %arg6[%get3A_761] : memref<128xf32, #tpu.memory_space<smem>>
    %get3A_763 = arith.constant 94 : i32
    %get3A_764 = arith.index_cast %get3A_763 : i32 to index
    %get3A_765 = memref.load %arg7[%get3A_764] : memref<128xf32, #tpu.memory_space<smem>>
    %mul3A_766 = arith.mulf %get3A_762, %get3A_765 : f32
    %add3A_767 = arith.addf %add3A_735, %mul3A_766 : f32
    %get3A_768 = arith.constant 95 : i32
    %get3A_769 = arith.index_cast %get3A_768 : i32 to index
    %get3A_770 = memref.load %arg6[%get3A_769] : memref<128xf32, #tpu.memory_space<smem>>
    %get3A_771 = arith.constant 95 : i32
    %get3A_772 = arith.index_cast %get3A_771 : i32 to index
    %get3A_773 = memref.load %arg7[%get3A_772] : memref<128xf32, #tpu.memory_space<smem>>
    %mul3A_774 = arith.mulf %get3A_770, %get3A_773 : f32
    %add3A_775 = arith.addf %add3A_743, %mul3A_774 : f32
    %get3A_776 = arith.constant 96 : i32
    %get3A_777 = arith.index_cast %get3A_776 : i32 to index
    %get3A_778 = memref.load %arg6[%get3A_777] : memref<128xf32, #tpu.memory_space<smem>>
    %get3A_779 = arith.constant 96 : i32
    %get3A_780 = arith.index_cast %get3A_779 : i32 to index
    %get3A_781 = memref.load %arg7[%get3A_780] : memref<128xf32, #tpu.memory_space<smem>>
    %mul3A_782 = arith.mulf %get3A_778, %get3A_781 : f32
    %add3A_783 = arith.addf %add3A_751, %mul3A_782 : f32
    %get3A_784 = arith.constant 97 : i32
    %get3A_785 = arith.index_cast %get3A_784 : i32 to index
    %get3A_786 = memref.load %arg6[%get3A_785] : memref<128xf32, #tpu.memory_space<smem>>
    %get3A_787 = arith.constant 97 : i32
    %get3A_788 = arith.index_cast %get3A_787 : i32 to index
    %get3A_789 = memref.load %arg7[%get3A_788] : memref<128xf32, #tpu.memory_space<smem>>
    %mul3A_790 = arith.mulf %get3A_786, %get3A_789 : f32
    %add3A_791 = arith.addf %add3A_759, %mul3A_790 : f32
    %get3A_792 = arith.constant 98 : i32
    %get3A_793 = arith.index_cast %get3A_792 : i32 to index
    %get3A_794 = memref.load %arg6[%get3A_793] : memref<128xf32, #tpu.memory_space<smem>>
    %get3A_795 = arith.constant 98 : i32
    %get3A_796 = arith.index_cast %get3A_795 : i32 to index
    %get3A_797 = memref.load %arg7[%get3A_796] : memref<128xf32, #tpu.memory_space<smem>>
    %mul3A_798 = arith.mulf %get3A_794, %get3A_797 : f32
    %add3A_799 = arith.addf %add3A_767, %mul3A_798 : f32
    %get3A_800 = arith.constant 99 : i32
    %get3A_801 = arith.index_cast %get3A_800 : i32 to index
    %get3A_802 = memref.load %arg6[%get3A_801] : memref<128xf32, #tpu.memory_space<smem>>
    %get3A_803 = arith.constant 99 : i32
    %get3A_804 = arith.index_cast %get3A_803 : i32 to index
    %get3A_805 = memref.load %arg7[%get3A_804] : memref<128xf32, #tpu.memory_space<smem>>
    %mul3A_806 = arith.mulf %get3A_802, %get3A_805 : f32
    %add3A_807 = arith.addf %add3A_775, %mul3A_806 : f32
    %get3A_808 = arith.constant 100 : i32
    %get3A_809 = arith.index_cast %get3A_808 : i32 to index
    %get3A_810 = memref.load %arg6[%get3A_809] : memref<128xf32, #tpu.memory_space<smem>>
    %get3A_811 = arith.constant 100 : i32
    %get3A_812 = arith.index_cast %get3A_811 : i32 to index
    %get3A_813 = memref.load %arg7[%get3A_812] : memref<128xf32, #tpu.memory_space<smem>>
    %mul3A_814 = arith.mulf %get3A_810, %get3A_813 : f32
    %add3A_815 = arith.addf %add3A_783, %mul3A_814 : f32
    %get3A_816 = arith.constant 101 : i32
    %get3A_817 = arith.index_cast %get3A_816 : i32 to index
    %get3A_818 = memref.load %arg6[%get3A_817] : memref<128xf32, #tpu.memory_space<smem>>
    %get3A_819 = arith.constant 101 : i32
    %get3A_820 = arith.index_cast %get3A_819 : i32 to index
    %get3A_821 = memref.load %arg7[%get3A_820] : memref<128xf32, #tpu.memory_space<smem>>
    %mul3A_822 = arith.mulf %get3A_818, %get3A_821 : f32
    %add3A_823 = arith.addf %add3A_791, %mul3A_822 : f32
    %get3A_824 = arith.constant 102 : i32
    %get3A_825 = arith.index_cast %get3A_824 : i32 to index
    %get3A_826 = memref.load %arg6[%get3A_825] : memref<128xf32, #tpu.memory_space<smem>>
    %get3A_827 = arith.constant 102 : i32
    %get3A_828 = arith.index_cast %get3A_827 : i32 to index
    %get3A_829 = memref.load %arg7[%get3A_828] : memref<128xf32, #tpu.memory_space<smem>>
    %mul3A_830 = arith.mulf %get3A_826, %get3A_829 : f32
    %add3A_831 = arith.addf %add3A_799, %mul3A_830 : f32
    %get3A_832 = arith.constant 103 : i32
    %get3A_833 = arith.index_cast %get3A_832 : i32 to index
    %get3A_834 = memref.load %arg6[%get3A_833] : memref<128xf32, #tpu.memory_space<smem>>
    %get3A_835 = arith.constant 103 : i32
    %get3A_836 = arith.index_cast %get3A_835 : i32 to index
    %get3A_837 = memref.load %arg7[%get3A_836] : memref<128xf32, #tpu.memory_space<smem>>
    %mul3A_838 = arith.mulf %get3A_834, %get3A_837 : f32
    %add3A_839 = arith.addf %add3A_807, %mul3A_838 : f32
    %get3A_840 = arith.constant 104 : i32
    %get3A_841 = arith.index_cast %get3A_840 : i32 to index
    %get3A_842 = memref.load %arg6[%get3A_841] : memref<128xf32, #tpu.memory_space<smem>>
    %get3A_843 = arith.constant 104 : i32
    %get3A_844 = arith.index_cast %get3A_843 : i32 to index
    %get3A_845 = memref.load %arg7[%get3A_844] : memref<128xf32, #tpu.memory_space<smem>>
    %mul3A_846 = arith.mulf %get3A_842, %get3A_845 : f32
    %add3A_847 = arith.addf %add3A_815, %mul3A_846 : f32
    %get3A_848 = arith.constant 105 : i32
    %get3A_849 = arith.index_cast %get3A_848 : i32 to index
    %get3A_850 = memref.load %arg6[%get3A_849] : memref<128xf32, #tpu.memory_space<smem>>
    %get3A_851 = arith.constant 105 : i32
    %get3A_852 = arith.index_cast %get3A_851 : i32 to index
    %get3A_853 = memref.load %arg7[%get3A_852] : memref<128xf32, #tpu.memory_space<smem>>
    %mul3A_854 = arith.mulf %get3A_850, %get3A_853 : f32
    %add3A_855 = arith.addf %add3A_823, %mul3A_854 : f32
    %get3A_856 = arith.constant 106 : i32
    %get3A_857 = arith.index_cast %get3A_856 : i32 to index
    %get3A_858 = memref.load %arg6[%get3A_857] : memref<128xf32, #tpu.memory_space<smem>>
    %get3A_859 = arith.constant 106 : i32
    %get3A_860 = arith.index_cast %get3A_859 : i32 to index
    %get3A_861 = memref.load %arg7[%get3A_860] : memref<128xf32, #tpu.memory_space<smem>>
    %mul3A_862 = arith.mulf %get3A_858, %get3A_861 : f32
    %add3A_863 = arith.addf %add3A_831, %mul3A_862 : f32
    %get3A_864 = arith.constant 107 : i32
    %get3A_865 = arith.index_cast %get3A_864 : i32 to index
    %get3A_866 = memref.load %arg6[%get3A_865] : memref<128xf32, #tpu.memory_space<smem>>
    %get3A_867 = arith.constant 107 : i32
    %get3A_868 = arith.index_cast %get3A_867 : i32 to index
    %get3A_869 = memref.load %arg7[%get3A_868] : memref<128xf32, #tpu.memory_space<smem>>
    %mul3A_870 = arith.mulf %get3A_866, %get3A_869 : f32
    %add3A_871 = arith.addf %add3A_839, %mul3A_870 : f32
    %get3A_872 = arith.constant 108 : i32
    %get3A_873 = arith.index_cast %get3A_872 : i32 to index
    %get3A_874 = memref.load %arg6[%get3A_873] : memref<128xf32, #tpu.memory_space<smem>>
    %get3A_875 = arith.constant 108 : i32
    %get3A_876 = arith.index_cast %get3A_875 : i32 to index
    %get3A_877 = memref.load %arg7[%get3A_876] : memref<128xf32, #tpu.memory_space<smem>>
    %mul3A_878 = arith.mulf %get3A_874, %get3A_877 : f32
    %add3A_879 = arith.addf %add3A_847, %mul3A_878 : f32
    %get3A_880 = arith.constant 109 : i32
    %get3A_881 = arith.index_cast %get3A_880 : i32 to index
    %get3A_882 = memref.load %arg6[%get3A_881] : memref<128xf32, #tpu.memory_space<smem>>
    %get3A_883 = arith.constant 109 : i32
    %get3A_884 = arith.index_cast %get3A_883 : i32 to index
    %get3A_885 = memref.load %arg7[%get3A_884] : memref<128xf32, #tpu.memory_space<smem>>
    %mul3A_886 = arith.mulf %get3A_882, %get3A_885 : f32
    %add3A_887 = arith.addf %add3A_855, %mul3A_886 : f32
    %get3A_888 = arith.constant 110 : i32
    %get3A_889 = arith.index_cast %get3A_888 : i32 to index
    %get3A_890 = memref.load %arg6[%get3A_889] : memref<128xf32, #tpu.memory_space<smem>>
    %get3A_891 = arith.constant 110 : i32
    %get3A_892 = arith.index_cast %get3A_891 : i32 to index
    %get3A_893 = memref.load %arg7[%get3A_892] : memref<128xf32, #tpu.memory_space<smem>>
    %mul3A_894 = arith.mulf %get3A_890, %get3A_893 : f32
    %add3A_895 = arith.addf %add3A_863, %mul3A_894 : f32
    %get3A_896 = arith.constant 111 : i32
    %get3A_897 = arith.index_cast %get3A_896 : i32 to index
    %get3A_898 = memref.load %arg6[%get3A_897] : memref<128xf32, #tpu.memory_space<smem>>
    %get3A_899 = arith.constant 111 : i32
    %get3A_900 = arith.index_cast %get3A_899 : i32 to index
    %get3A_901 = memref.load %arg7[%get3A_900] : memref<128xf32, #tpu.memory_space<smem>>
    %mul3A_902 = arith.mulf %get3A_898, %get3A_901 : f32
    %add3A_903 = arith.addf %add3A_871, %mul3A_902 : f32
    %get3A_904 = arith.constant 112 : i32
    %get3A_905 = arith.index_cast %get3A_904 : i32 to index
    %get3A_906 = memref.load %arg6[%get3A_905] : memref<128xf32, #tpu.memory_space<smem>>
    %get3A_907 = arith.constant 112 : i32
    %get3A_908 = arith.index_cast %get3A_907 : i32 to index
    %get3A_909 = memref.load %arg7[%get3A_908] : memref<128xf32, #tpu.memory_space<smem>>
    %mul3A_910 = arith.mulf %get3A_906, %get3A_909 : f32
    %add3A_911 = arith.addf %add3A_879, %mul3A_910 : f32
    %get3A_912 = arith.constant 113 : i32
    %get3A_913 = arith.index_cast %get3A_912 : i32 to index
    %get3A_914 = memref.load %arg6[%get3A_913] : memref<128xf32, #tpu.memory_space<smem>>
    %get3A_915 = arith.constant 113 : i32
    %get3A_916 = arith.index_cast %get3A_915 : i32 to index
    %get3A_917 = memref.load %arg7[%get3A_916] : memref<128xf32, #tpu.memory_space<smem>>
    %mul3A_918 = arith.mulf %get3A_914, %get3A_917 : f32
    %add3A_919 = arith.addf %add3A_887, %mul3A_918 : f32
    %get3A_920 = arith.constant 114 : i32
    %get3A_921 = arith.index_cast %get3A_920 : i32 to index
    %get3A_922 = memref.load %arg6[%get3A_921] : memref<128xf32, #tpu.memory_space<smem>>
    %get3A_923 = arith.constant 114 : i32
    %get3A_924 = arith.index_cast %get3A_923 : i32 to index
    %get3A_925 = memref.load %arg7[%get3A_924] : memref<128xf32, #tpu.memory_space<smem>>
    %mul3A_926 = arith.mulf %get3A_922, %get3A_925 : f32
    %add3A_927 = arith.addf %add3A_895, %mul3A_926 : f32
    %get3A_928 = arith.constant 115 : i32
    %get3A_929 = arith.index_cast %get3A_928 : i32 to index
    %get3A_930 = memref.load %arg6[%get3A_929] : memref<128xf32, #tpu.memory_space<smem>>
    %get3A_931 = arith.constant 115 : i32
    %get3A_932 = arith.index_cast %get3A_931 : i32 to index
    %get3A_933 = memref.load %arg7[%get3A_932] : memref<128xf32, #tpu.memory_space<smem>>
    %mul3A_934 = arith.mulf %get3A_930, %get3A_933 : f32
    %add3A_935 = arith.addf %add3A_903, %mul3A_934 : f32
    %get3A_936 = arith.constant 116 : i32
    %get3A_937 = arith.index_cast %get3A_936 : i32 to index
    %get3A_938 = memref.load %arg6[%get3A_937] : memref<128xf32, #tpu.memory_space<smem>>
    %get3A_939 = arith.constant 116 : i32
    %get3A_940 = arith.index_cast %get3A_939 : i32 to index
    %get3A_941 = memref.load %arg7[%get3A_940] : memref<128xf32, #tpu.memory_space<smem>>
    %mul3A_942 = arith.mulf %get3A_938, %get3A_941 : f32
    %add3A_943 = arith.addf %add3A_911, %mul3A_942 : f32
    %get3A_944 = arith.constant 117 : i32
    %get3A_945 = arith.index_cast %get3A_944 : i32 to index
    %get3A_946 = memref.load %arg6[%get3A_945] : memref<128xf32, #tpu.memory_space<smem>>
    %get3A_947 = arith.constant 117 : i32
    %get3A_948 = arith.index_cast %get3A_947 : i32 to index
    %get3A_949 = memref.load %arg7[%get3A_948] : memref<128xf32, #tpu.memory_space<smem>>
    %mul3A_950 = arith.mulf %get3A_946, %get3A_949 : f32
    %add3A_951 = arith.addf %add3A_919, %mul3A_950 : f32
    %get3A_952 = arith.constant 118 : i32
    %get3A_953 = arith.index_cast %get3A_952 : i32 to index
    %get3A_954 = memref.load %arg6[%get3A_953] : memref<128xf32, #tpu.memory_space<smem>>
    %get3A_955 = arith.constant 118 : i32
    %get3A_956 = arith.index_cast %get3A_955 : i32 to index
    %get3A_957 = memref.load %arg7[%get3A_956] : memref<128xf32, #tpu.memory_space<smem>>
    %mul3A_958 = arith.mulf %get3A_954, %get3A_957 : f32
    %add3A_959 = arith.addf %add3A_927, %mul3A_958 : f32
    %get3A_960 = arith.constant 119 : i32
    %get3A_961 = arith.index_cast %get3A_960 : i32 to index
    %get3A_962 = memref.load %arg6[%get3A_961] : memref<128xf32, #tpu.memory_space<smem>>
    %get3A_963 = arith.constant 119 : i32
    %get3A_964 = arith.index_cast %get3A_963 : i32 to index
    %get3A_965 = memref.load %arg7[%get3A_964] : memref<128xf32, #tpu.memory_space<smem>>
    %mul3A_966 = arith.mulf %get3A_962, %get3A_965 : f32
    %add3A_967 = arith.addf %add3A_935, %mul3A_966 : f32
    %get3A_968 = arith.constant 120 : i32
    %get3A_969 = arith.index_cast %get3A_968 : i32 to index
    %get3A_970 = memref.load %arg6[%get3A_969] : memref<128xf32, #tpu.memory_space<smem>>
    %get3A_971 = arith.constant 120 : i32
    %get3A_972 = arith.index_cast %get3A_971 : i32 to index
    %get3A_973 = memref.load %arg7[%get3A_972] : memref<128xf32, #tpu.memory_space<smem>>
    %mul3A_974 = arith.mulf %get3A_970, %get3A_973 : f32
    %add3A_975 = arith.addf %add3A_943, %mul3A_974 : f32
    %get3A_976 = arith.constant 121 : i32
    %get3A_977 = arith.index_cast %get3A_976 : i32 to index
    %get3A_978 = memref.load %arg6[%get3A_977] : memref<128xf32, #tpu.memory_space<smem>>
    %get3A_979 = arith.constant 121 : i32
    %get3A_980 = arith.index_cast %get3A_979 : i32 to index
    %get3A_981 = memref.load %arg7[%get3A_980] : memref<128xf32, #tpu.memory_space<smem>>
    %mul3A_982 = arith.mulf %get3A_978, %get3A_981 : f32
    %add3A_983 = arith.addf %add3A_951, %mul3A_982 : f32
    %get3A_984 = arith.constant 122 : i32
    %get3A_985 = arith.index_cast %get3A_984 : i32 to index
    %get3A_986 = memref.load %arg6[%get3A_985] : memref<128xf32, #tpu.memory_space<smem>>
    %get3A_987 = arith.constant 122 : i32
    %get3A_988 = arith.index_cast %get3A_987 : i32 to index
    %get3A_989 = memref.load %arg7[%get3A_988] : memref<128xf32, #tpu.memory_space<smem>>
    %mul3A_990 = arith.mulf %get3A_986, %get3A_989 : f32
    %add3A_991 = arith.addf %add3A_959, %mul3A_990 : f32
    %get3A_992 = arith.constant 123 : i32
    %get3A_993 = arith.index_cast %get3A_992 : i32 to index
    %get3A_994 = memref.load %arg6[%get3A_993] : memref<128xf32, #tpu.memory_space<smem>>
    %get3A_995 = arith.constant 123 : i32
    %get3A_996 = arith.index_cast %get3A_995 : i32 to index
    %get3A_997 = memref.load %arg7[%get3A_996] : memref<128xf32, #tpu.memory_space<smem>>
    %mul3A_998 = arith.mulf %get3A_994, %get3A_997 : f32
    %add3A_999 = arith.addf %add3A_967, %mul3A_998 : f32
    %get3A_1000 = arith.constant 124 : i32
    %get3A_1001 = arith.index_cast %get3A_1000 : i32 to index
    %get3A_1002 = memref.load %arg6[%get3A_1001] : memref<128xf32, #tpu.memory_space<smem>>
    %get3A_1003 = arith.constant 124 : i32
    %get3A_1004 = arith.index_cast %get3A_1003 : i32 to index
    %get3A_1005 = memref.load %arg7[%get3A_1004] : memref<128xf32, #tpu.memory_space<smem>>
    %mul3A_1006 = arith.mulf %get3A_1002, %get3A_1005 : f32
    %add3A_1007 = arith.addf %add3A_975, %mul3A_1006 : f32
    %get3A_1008 = arith.constant 125 : i32
    %get3A_1009 = arith.index_cast %get3A_1008 : i32 to index
    %get3A_1010 = memref.load %arg6[%get3A_1009] : memref<128xf32, #tpu.memory_space<smem>>
    %get3A_1011 = arith.constant 125 : i32
    %get3A_1012 = arith.index_cast %get3A_1011 : i32 to index
    %get3A_1013 = memref.load %arg7[%get3A_1012] : memref<128xf32, #tpu.memory_space<smem>>
    %mul3A_1014 = arith.mulf %get3A_1010, %get3A_1013 : f32
    %add3A_1015 = arith.addf %add3A_983, %mul3A_1014 : f32
    %get3A_1016 = arith.constant 126 : i32
    %get3A_1017 = arith.index_cast %get3A_1016 : i32 to index
    %get3A_1018 = memref.load %arg6[%get3A_1017] : memref<128xf32, #tpu.memory_space<smem>>
    %get3A_1019 = arith.constant 126 : i32
    %get3A_1020 = arith.index_cast %get3A_1019 : i32 to index
    %get3A_1021 = memref.load %arg7[%get3A_1020] : memref<128xf32, #tpu.memory_space<smem>>
    %mul3A_1022 = arith.mulf %get3A_1018, %get3A_1021 : f32
    %add3A_1023 = arith.addf %add3A_991, %mul3A_1022 : f32
    %get3A_1024 = arith.constant 127 : i32
    %get3A_1025 = arith.index_cast %get3A_1024 : i32 to index
    %get3A_1026 = memref.load %arg6[%get3A_1025] : memref<128xf32, #tpu.memory_space<smem>>
    %get3A_1027 = arith.constant 127 : i32
    %get3A_1028 = arith.index_cast %get3A_1027 : i32 to index
    %get3A_1029 = memref.load %arg7[%get3A_1028] : memref<128xf32, #tpu.memory_space<smem>>
    %mul3A_1030 = arith.mulf %get3A_1026, %get3A_1029 : f32
    %add3A_1031 = arith.addf %add3A_999, %mul3A_1030 : f32
    %add3A_1032 = arith.addf %add3A_1007, %add3A_1015 : f32
    %add3A_1033 = arith.addf %add3A_1023, %add3A_1031 : f32
    %add3A_1034 = arith.addf %add3A_1032, %add3A_1033 : f32
    %swap3A = arith.constant 0 : i32
    %swap3A_1035 = arith.index_cast %swap3A : i32 to index
    %swap3A_1036 = memref.load %arg8[%swap3A_1035] : memref<1xf32, #tpu.memory_space<smem>>
    memref.store %add3A_1034, %arg8[%swap3A_1035] : memref<1xf32, #tpu.memory_space<smem>>
    "tpu.region"() ({
      %run_scoped3A = tpu.sem_alloc : memref<!tpu.dma_semaphore, #tpu.memory_space<semaphore_mem>>
      tpu.enqueue_dma source(%arg8 : memref<1xf32, #tpu.memory_space<smem>>) target(%arg4 : memref<1xf32, #tpu.memory_space<hbm>>) target_semaphore(%run_scoped3A : memref<!tpu.dma_semaphore, #tpu.memory_space<semaphore_mem>>)
      tpu.wait_dma2 semaphore(%run_scoped3A : memref<!tpu.dma_semaphore, #tpu.memory_space<semaphore_mem>>) src(%arg8 : memref<1xf32, #tpu.memory_space<smem>>) dst(%arg4 : memref<1xf32, #tpu.memory_space<hbm>>)
      tpu.yield
    }) : () -> ()
    return
  }
}

</mosaic_0001>

<sc_bundles>
// kernel: _run.3.cloned.1.call-start
scs
__scs_entry_jumppad:
0x0: {  	(pc) =	sbr.rel $0x88, $3  }
0x1: {  	(tag) =	ssettag $0x0;
	lr =	simm.s32 $0x1  }
0x2: {  	[smem:$0x3F9E] =	sst lr;
	_ =	strace $0xD0000000  }
0x3: {  	_ = 	snop  }
0x4: {  	_ = 	snop  }
0x5: {  	_ = 	snop  }
0x6: {  	_ = 	snop  }
0x7: {  	_ = 	snop  }
__scs_overlays_trampoline_lowered:
0x8: {  	[smem:$0x3FAD] =	sst s0  }
0x9: {  	[smem:$0x3FAE] =	sst s1  }
0xa: {  	[smem:$0x3FAF] =	sst s2  }
0xb: {  	[smem:$0x3FB0] =	sst s3  }
0xc: {  	[smem:$0x3FB1] =	sst s4  }
0xd: {  	[smem:$0x3FB2] =	sst s5  }
0xe: {  	[smem:$0x3FB3] =	sst s6  }
0xf: {  	[smem:$0x3FB4] =	sst s7  }
0x10: {  	[smem:$0x3FB5] =	sst s8  }
0x11: {  	[smem:$0x3FB6] =	sst s9;
	s0 =	simm.s32 @!p0 $0x0  }
0x12: {  	s1 =	sld [smem:$0x3F9C];
	s0 =	simm.s32 @p0 $0x1  }
0x13: {  	[smem:$0x3FB7] =	sst s0;
	s0 =	simm.s32 @!p1 $0x0  }
0x14: {  	s2 =	sld [smem:$0x3F9B];
	s0 =	simm.s32 @p1 $0x1  }
0x15: {  	[smem:$0x3FB8] =	sst s0;
	s0 =	simm.s32 @!p2 $0x0  }
0x16: {  	s3 =	sld [smem:$0x3FDB];
	s0 =	simm.s32 @p2 $0x1  }
0x17: {  	s4 =	simm.s32 $0x1BF5;
	[smem:$0x3FBA] =	sst s0  }
0x18: {  	s0 =	sld [smem:$0x3F9D];
	_ =	swait.ge [sflag:s4], $0x0  }
0x19: {  	s7 =	sld [smem:$0x3F9E]  }
0x1a: {  	s8 =	sadd.s32 $0xFFFFE003, lr  }
0x1b: {  	s9 =	sadd.s32 $0xFFFFFEF7, lr;
	s5 =	simm.s32 $0xFFFFFFFF;
	p2 =	slt.u32 s8, $0xFFFFF086  }
0x1c: {  	p1 =	slt.u32 s9, $0xF7A;
	s5 =	simm.s32 @!p2 $0x0  }
0x1d: {  	s5 =	simm.s32 @p1 $0x1;
	p0 =	seq.s32 s7, s2  }
0x1e: {  	s7 =	smul.u32 @!p0 $0xF7A, s2;
	p2 =	seq.s32 @!p0 s5, $0x0  }
0x1f: {  	s9 =	smul.u32 $0xF7A, s1;
	s8 =	simm.s32 @!p0 $0x1BF5;
	p2 =	por !p2, p0  }
0x20: {  	[sflag:s8] =	ssyncset.s32 @!p0 $0xFFFFF086;
	s6 =	sadd.s32 @!p0 s3, s7;
	s7 =	simm.s32 @!p0 $0x108  }
0x21: {  	s3 =	sadd.s32 s3, s9;
	s6 =	sadd.s32 @!p0 $0x88, s6;
	s7 =	simm.s32 @p2 $0x1082  }
0x22: {  	[simem:s7], [sflag:s8] =	dma.local @!p0 [hbm:s6], $0xF7A  }
0x23: {  	s9 =	sor.u32 $0xD0000000, s2;
	s6 =	simm.s32 $0x108;
	_ =	swait.ge @!p0 [sflag:s8], $0x0  }
0x24: {  	s3 =	sadd.s32 $0x88, s3;
	s6 =	simm.s32 @!p1 $0x1082;
	[sflag:s4] =	ssyncset.s32 $0xFFFFF086  }
0x25: {  	[simem:s6], [sflag:s4] =	dma.local [hbm:s3], $0xF7A  }
0x26: {  	[smem:$0x3F9E] =	sst s1;
	(tag) =	ssettag s2;
	_ =	strace s9  }
0x27: {  	s1 =	sld [smem:$0x3FAE]  }
0x28: {  	s2 =	sld [smem:$0x3FAF]  }
0x29: {  	s4 =	sld [smem:$0x3FB1]  }
0x2a: {  	p0 =	seq.s32 s5, $0x0;
	s5 =	sld [smem:$0x3FB2]  }
0x2b: {  	s6 =	sld [smem:$0x3FB3]  }
0x2c: {  	s7 =	sld [smem:$0x3FB4]  }
0x2d: {  	s3 =	simm.s32 $0x108;
	s8 =	sld [smem:$0x3FB5]  }
0x2e: {  	s3 =	simm.s32 @!p0 $0x1082;
	s9 =	sld [smem:$0x3FB6]  }
0x2f: {  	lr =	sadd.s32 s0, s3;
	s0 =	sld [smem:$0x3FAD]  }
0x30: {  	s3 =	sld [smem:$0x3FB0]  }
0x31: {  	[smem:$0x3FB9] =	sst s10  }
0x32: {  	s10 =	sld [smem:$0x3FB7];
	_ =	sdelay $0x3  }
0x33: {  	p0 =	seq.s32 s10, $0x1;
	s10 =	sld [smem:$0x3FB9];
	_ =	sdelay $0x3  }
0x34: {  	[smem:$0x3FB9] =	sst s10  }
0x35: {  	s10 =	sld [smem:$0x3FB8];
	_ =	sdelay $0x3  }
0x36: {  	p1 =	seq.s32 s10, $0x1;
	s10 =	sld [smem:$0x3FB9];
	_ =	sdelay $0x3  }
0x37: {  	[smem:$0x3FB9] =	sst s10  }
0x38: {  	s10 =	sld [smem:$0x3FBA]  }
0x39: {  	_ = 	snop;
	(pc) =	sbr.ind lr, $3  }
0x3a: {  	_ = 	snop  }
0x3b: {  	_ = 	snop  }
0x3c: {  	p2 =	seq.s32 s10, $0x1;
	s10 =	sld [smem:$0x3FB9]  }
0x3d: {  	_ =	shalt  }
0x3e: {  	_ =	shalt  }
0x3f: {  	_ =	shalt  }
0x40: {  	_ =	shalt  }
0x41: {  	_ =	shalt  }
0x42: {  	_ =	shalt  }
0x43: {  	_ =	shalt  }
0x44: {  	_ =	shalt  }
0x45: {  	_ =	shalt  }
0x46: {  	_ =	shalt  }
0x47: {  	_ =	shalt  }
0x48: {  	_ =	shalt  }
0x49: {  	_ =	shalt  }
0x4a: {  	_ =	shalt  }
0x4b: {  	_ =	shalt  }
0x4c: {  	_ =	shalt  }
0x4d: {  	_ =	shalt  }
0x4e: {  	_ =	shalt  }
0x4f: {  	_ =	shalt  }
0x50: {  	_ =	shalt  }
0x51: {  	_ =	shalt  }
0x52: {  	_ =	shalt  }
0x53: {  	_ =	shalt  }
0x54: {  	_ =	shalt  }
0x55: {  	_ =	shalt  }
0x56: {  	_ =	shalt  }
0x57: {  	_ =	shalt  }
0x58: {  	_ =	shalt  }
0x59: {  	_ =	shalt  }
0x5a: {  	_ =	shalt  }
0x5b: {  	_ =	shalt  }
0x5c: {  	_ =	shalt  }
0x5d: {  	_ =	shalt  }
0x5e: {  	_ =	shalt  }
0x5f: {  	_ =	shalt  }
0x60: {  	_ =	shalt  }
0x61: {  	_ =	shalt  }
0x62: {  	_ =	shalt  }
0x63: {  	_ =	shalt  }
0x64: {  	_ =	shalt  }
0x65: {  	_ =	shalt  }
0x66: {  	_ =	shalt  }
0x67: {  	_ =	shalt  }
0x68: {  	_ =	shalt  }
0x69: {  	_ =	shalt  }
0x6a: {  	_ =	shalt  }
0x6b: {  	_ =	shalt  }
0x6c: {  	_ =	shalt  }
0x6d: {  	_ =	shalt  }
0x6e: {  	_ =	shalt  }
0x6f: {  	_ =	shalt  }
0x70: {  	_ =	shalt  }
0x71: {  	_ =	shalt  }
0x72: {  	_ =	shalt  }
0x73: {  	_ =	shalt  }
0x74: {  	_ =	shalt  }
0x75: {  	_ =	shalt  }
0x76: {  	_ =	shalt  }
0x77: {  	_ =	shalt  }
0x78: {  	_ =	shalt  }
0x79: {  	_ =	shalt  }
0x7a: {  	_ =	shalt  }
0x7b: {  	_ =	shalt  }
0x7c: {  	_ =	shalt  }
0x7d: {  	_ =	shalt  }
0x7e: {  	_ =	shalt  }
0x7f: {  	_ =	shalt  }
0x80: {  	_ =	shalt  }
0x81: {  	_ =	shalt  }
0x82: {  	_ =	shalt  }
0x83: {  	_ =	shalt  }
0x84: {  	_ =	shalt  }
0x85: {  	_ =	shalt  }
0x86: {  	_ =	shalt  }
0x87: {  	_ =	shalt  }
.Lfunc_end0:
.L_simem_size_0:
called_computation_lowered:
.L_overlay_start_0:
0x88: {  	s0 =	sld [smem:$0x3FD9]  }
0x89: {  	s1 =	sld [smem:$0x3FFE];
	_ =	sdelay $0x3  }
0x8a: {  	s0 =	sadd.s32 s1, s0  }
0x8b: {  	s4 =	simm.s32 $0x0;
	[smem:$0x3FC5] =	sst s0  }
0x8c: {  	[smem:$0xF] =	sst s4  }
0x8d: {  	s2 =	sld [smem:$0x3FC9]  }
0x8e: {  	s29 =	sld [smem:$0x3FC8]  }
0x8f: {  	s3 =	sld [smem:$0x3FC7]  }
0x90: {  	s0 =	sld [smem:$0x3FD0];
	(tm) =	ssettm $0x1  }
0x91: {  	s30 =	sld [smem:$0x3FFB];
	_ =	sdelay $0x3  }
0x92: {  	_ =	strace s30  }
0x93: {  	s4 =	sld [smem:$0x3FFC];
	_ =	sdelay $0x3  }
0x94: {  	_ =	strace s4  }
0x95: {  	s4 =	sld [smem:$0x3FFD];
	_ =	sdelay $0x3  }
0x96: {  	_ =	strace s4  }
0x97: {  	s31 =	simm.s32 $0x1B8B;
	_ =	strace $0x8FFFFFFF  }
0x98: {  	_ =	swait.ge [sflag:s31], $0x1  }
0x99: {  	[sflag:s31] =	ssyncset.done $0x0  }
0x9a: {  	s5 =	simm.s32 $0x1B8E;
	[sflag:s31] =	ssyncadd.s32 $0xFFFFFFFF  }
0x9b: {  	s6 =	simm.s32 $0xA;
	s7 =	simm.s32 $0x110;
	[smem:$0x3FD2] =	sst s5  }
0x9c: {  	s1 =	simm.s32 $0xB;
	s5 =	simm.s32 $0x10;
	_ =	strace $0x80000046  }
0x9d: {  	[smem:s5], [sflag:s6] =	dma.local [hbm:s29], $0x10  }
0x9e: {  	[smem:s7], [sflag:s1] =	dma.local [hbm:s2], $0x10  }
0x9f: {  	_ =	swait.ge [sflag:s1], $0x10  }
0xa0: {  	[sflag:s1] =	ssyncset.done $0x0  }
0xa1: {  	[sflag:s1] =	ssyncadd.s32 $0xFFFFFFF0;
	_ =	sdelay $0x2  }
0xa2: {  	_ =	swait.ge [sflag:s6], $0x10  }
0xa3: {  	[sflag:s6] =	ssyncset.done $0x0  }
0xa4: {  	[sflag:s6] =	ssyncadd.s32 $0xFFFFFFF0  }
0xa5: {  	s8 =	sld [smem:$0x10];
	_ =	sdelay $0x3  }
0xa6: {  	s2 =	sshll.u32 s8, $0x4  }
0xa7: {  	s2 =	sand.u32 $0x1FFFFFF0, s2  }
0xa8: {  	s9 =	simm.s32 $0x9;
	s10 =	simm.s32 $0x90;
	s2 =	sadd.s32 s3, s2  }
0xa9: {  	[smem:s10], [sflag:s9] =	dma.local [hbm:s2], $0x10  }
0xaa: {  	_ =	swait.ge [sflag:s9], $0x10  }
0xab: {  	[sflag:s9] =	ssyncset.done $0x0  }
0xac: {  	[sflag:s9] =	ssyncadd.s32 $0xFFFFFFF0  }
0xad: {  	s11 =	sld [smem:$0x90]  }
0xae: {  	s3 =	sld [smem:$0x110]  }
0xaf: {  	s12 =	sld [smem:$0x91]  }
0xb0: {  	s13 =	sld [smem:$0x111]  }
0xb1: {  	s15 =	sld [smem:$0x92]  }
0xb2: {  	s16 =	sld [smem:$0x112]  }
0xb3: {  	s6 =	sld [smem:$0x93]  }
0xb4: {  	s7 =	sld [smem:$0x113]  }
0xb5: {  	s8 =	sld [smem:$0x94]  }
0xb6: {  	s9 =	sld [smem:$0x114]  }
0xb7: {  	s10 =	sld [smem:$0x95]  }
0xb8: {  	s17 =	sld [smem:$0x97]  }
0xb9: {  	s18 =	sld [smem:$0x117]  }
0xba: {  	s21 =	sld [smem:$0x98]  }
0xbb: {  	s22 =	sld [smem:$0x118]  }
0xbc: {  	s23 =	sld [smem:$0x99]  }
0xbd: {  	s24 =	sld [smem:$0x119]  }
0xbe: {  	s25 =	sld [smem:$0x9A]  }
0xbf: {  	s26 =	sld [smem:$0x11A]  }
0xc0: {  	s28 =	sld [smem:$0x9B]  }
0xc1: {  	s29 =	sld [smem:$0x11B]  }
0xc2: {  	s30 =	sld [smem:$0x9D]  }
0xc3: {  	s31 =	sld [smem:$0x11D]  }
0xc4: {  	s2 =	smul.f32 s3, s11;
	s11 =	sld [smem:$0x115]  }
0xc5: {  	s14 =	smul.f32 s13, s12;
	s12 =	sld [smem:$0x96]  }
0xc6: {  	s13 =	sld [smem:$0x116]  }
0xc7: {  	s4 =	smul.f32 s16, s15;
	s15 =	sld [smem:$0x11C]  }
0xc8: {  	s16 =	smul.f32 s26, s25;
	s25 =	sld [smem:$0xA1]  }
0xc9: {  	s5 =	smul.f32 s18, s17;
	s26 =	sld [smem:$0x121]  }
0xca: {  	s17 =	smul.f32 s29, s28;
	s28 =	sld [smem:$0xA2]  }
0xcb: {  	s6 =	smul.f32 s7, s6;
	s29 =	sld [smem:$0x122]  }
0xcc: {  	s7 =	smul.f32 s31, s30;
	s30 =	sld [smem:$0xA3]  }
0xcd: {  	s31 =	sld [smem:$0x123]  }
0xce: {  	s2 =	sadd.f32 $0.0e+00, s2  }
0xcf: {  	s3 =	sadd.f32 $0.0e+00, s14  }
0xd0: {  	s4 =	sadd.f32 $0.0e+00, s4  }
0xd1: {  	s8 =	smul.f32 s9, s8;
	s6 =	sadd.f32 $0.0e+00, s6  }
0xd2: {  	s14 =	sld [smem:$0x9C]  }
0xd3: {  	s2 =	sadd.f32 s8, s2  }
0xd4: {  	s5 =	sadd.f32 s5, s6  }
0xd5: {  	s6 =	smul.f32 s22, s21;
	s21 =	sld [smem:$0x9F]  }
0xd6: {  	s22 =	sld [smem:$0x11F]  }
0xd7: {  	s8 =	smul.f32 s24, s23;
	s23 =	sld [smem:$0xA0]  }
0xd8: {  	s24 =	sld [smem:$0x120]  }
0xd9: {  	s19 =	smul.f32 s11, s10;
	s10 =	sld [smem:$0x10A]  }
0xda: {  	s20 =	smul.f32 s13, s12;
	s12 =	sld [smem:$0x10B]  }
0xdb: {  	s3 =	sadd.f32 s19, s3  }
0xdc: {  	s4 =	sadd.f32 s20, s4  }
0xdd: {  	s2 =	sadd.f32 s6, s2  }
0xde: {  	s5 =	sadd.f32 s17, s5  }
0xdf: {  	s19 =	sld [smem:$0x9E]  }
0xe0: {  	s20 =	sld [smem:$0x11E]  }
0xe1: {  	s17 =	smul.f32 s26, s25;
	s25 =	sld [smem:$0xA7]  }
0xe2: {  	s26 =	sld [smem:$0x127]  }
0xe3: {  	s18 =	smul.f32 s15, s14;
	s14 =	sld [smem:$0x10C]  }
0xe4: {  	s3 =	sadd.f32 s8, s3  }
0xe5: {  	s4 =	sadd.f32 s16, s4  }
0xe6: {  	s2 =	sadd.f32 s18, s2  }
0xe7: {  	s8 =	smul.f32 s22, s21;
	s21 =	sld [smem:$0xA5]  }
0xe8: {  	s22 =	sld [smem:$0x125]  }
0xe9: {  	s16 =	smul.f32 s24, s23;
	s23 =	sld [smem:$0xA6]  }
0xea: {  	s24 =	sld [smem:$0x126]  }
0xeb: {  	s18 =	smul.f32 s29, s28;
	s28 =	sld [smem:$0xA8]  }
0xec: {  	s29 =	sld [smem:$0x128]  }
0xed: {  	s3 =	sadd.f32 s7, s3  }
0xee: {  	s5 =	sadd.f32 s8, s5  }
0xef: {  	s2 =	sadd.f32 s16, s2  }
0xf0: {  	s6 =	smul.f32 s20, s19;
	s19 =	sld [smem:$0xA4]  }
0xf1: {  	s20 =	sld [smem:$0x124]  }
0xf2: {  	s7 =	smul.f32 s31, s30;
	s30 =	sld [smem:$0xA9]  }
0xf3: {  	s31 =	sld [smem:$0x129]  }
0xf4: {  	s4 =	sadd.f32 s6, s4  }
0xf5: {  	s3 =	sadd.f32 s17, s3  }
0xf6: {  	s5 =	sadd.f32 s7, s5  }
0xf7: {  	s8 =	smul.f32 s22, s21;
	s21 =	sld [smem:$0xAB]  }
0xf8: {  	s22 =	sld [smem:$0x12B]  }
0xf9: {  	s16 =	smul.f32 s24, s23;
	s23 =	sld [smem:$0xAC]  }
0xfa: {  	s24 =	sld [smem:$0x12C]  }
0xfb: {  	s17 =	smul.f32 s26, s25;
	s25 =	sld [smem:$0xAD]  }
0xfc: {  	s26 =	sld [smem:$0x12D]  }
0xfd: {  	s4 =	sadd.f32 s18, s4  }
0xfe: {  	s3 =	sadd.f32 s8, s3  }
0xff: {  	s5 =	sadd.f32 s17, s5  }
0x100: {  	s6 =	smul.f32 s20, s19;
	s19 =	sld [smem:$0xAA]  }
0x101: {  	s20 =	sld [smem:$0x12A]  }
0x102: {  	s18 =	smul.f32 s29, s28;
	s28 =	sld [smem:$0xAE]  }
0x103: {  	s29 =	sld [smem:$0x12E]  }
0x104: {  	s7 =	smul.f32 s31, s30;
	s30 =	sld [smem:$0xAF]  }
0x105: {  	s31 =	sld [smem:$0x12F]  }
0x106: {  	s2 =	sadd.f32 s6, s2  }
0x107: {  	s4 =	sadd.f32 s16, s4  }
0x108: {  	s3 =	sadd.f32 s7, s3  }
0x109: {  	s8 =	smul.f32 s22, s21;
	s21 =	sld [smem:$0xB1]  }
0x10a: {  	s22 =	sld [smem:$0x131]  }
0x10b: {  	s16 =	smul.f32 s24, s23;
	s23 =	sld [smem:$0xB2]  }
0x10c: {  	s24 =	sld [smem:$0x132]  }
0x10d: {  	s17 =	smul.f32 s26, s25;
	s25 =	sld [smem:$0xB3]  }
0x10e: {  	s26 =	sld [smem:$0x133]  }
0x10f: {  	s2 =	sadd.f32 s18, s2  }
0x110: {  	s5 =	sadd.f32 s8, s5  }
0x111: {  	s3 =	sadd.f32 s17, s3  }
0x112: {  	s6 =	smul.f32 s20, s19;
	s19 =	sld [smem:$0xB0]  }
0x113: {  	s20 =	sld [smem:$0x130]  }
0x114: {  	s18 =	smul.f32 s29, s28;
	s28 =	sld [smem:$0xB4]  }
0x115: {  	s29 =	sld [smem:$0x134]  }
0x116: {  	s7 =	smul.f32 s31, s30;
	s30 =	sld [smem:$0xB5]  }
0x117: {  	s31 =	sld [smem:$0x135]  }
0x118: {  	s4 =	sadd.f32 s6, s4  }
0x119: {  	s2 =	sadd.f32 s16, s2  }
0x11a: {  	s5 =	sadd.f32 s7, s5  }
0x11b: {  	s8 =	smul.f32 s22, s21;
	s21 =	sld [smem:$0xB7]  }
0x11c: {  	s22 =	sld [smem:$0x137]  }
0x11d: {  	s16 =	smul.f32 s24, s23;
	s23 =	sld [smem:$0xB8]  }
0x11e: {  	s24 =	sld [smem:$0x138]  }
0x11f: {  	s17 =	smul.f32 s26, s25;
	s25 =	sld [smem:$0xB9]  }
0x120: {  	s26 =	sld [smem:$0x139]  }
0x121: {  	s4 =	sadd.f32 s18, s4  }
0x122: {  	s3 =	sadd.f32 s8, s3  }
0x123: {  	s5 =	sadd.f32 s17, s5  }
0x124: {  	s6 =	smul.f32 s20, s19;
	s19 =	sld [smem:$0xB6]  }
0x125: {  	s20 =	sld [smem:$0x136]  }
0x126: {  	s18 =	smul.f32 s29, s28;
	s28 =	sld [smem:$0xBA]  }
0x127: {  	s29 =	sld [smem:$0x13A]  }
0x128: {  	s7 =	smul.f32 s31, s30;
	s30 =	sld [smem:$0xBB]  }
0x129: {  	s31 =	sld [smem:$0x13B]  }
0x12a: {  	s2 =	sadd.f32 s6, s2  }
0x12b: {  	s4 =	sadd.f32 s16, s4  }
0x12c: {  	s3 =	sadd.f32 s7, s3  }
0x12d: {  	s8 =	smul.f32 s22, s21;
	s21 =	sld [smem:$0xBD]  }
0x12e: {  	s22 =	sld [smem:$0x13D]  }
0x12f: {  	s16 =	smul.f32 s24, s23;
	s23 =	sld [smem:$0xBE]  }
0x130: {  	s24 =	sld [smem:$0x13E]  }
0x131: {  	s17 =	smul.f32 s26, s25;
	s25 =	sld [smem:$0xBF]  }
0x132: {  	s26 =	sld [smem:$0x13F]  }
0x133: {  	s2 =	sadd.f32 s18, s2  }
0x134: {  	s5 =	sadd.f32 s8, s5  }
0x135: {  	s3 =	sadd.f32 s17, s3  }
0x136: {  	s6 =	smul.f32 s20, s19;
	s19 =	sld [smem:$0xBC]  }
0x137: {  	s20 =	sld [smem:$0x13C]  }
0x138: {  	s18 =	smul.f32 s29, s28;
	s28 =	sld [smem:$0xC0]  }
0x139: {  	s29 =	sld [smem:$0x140]  }
0x13a: {  	s7 =	smul.f32 s31, s30;
	s30 =	sld [smem:$0xC1]  }
0x13b: {  	s31 =	sld [smem:$0x141]  }
0x13c: {  	s4 =	sadd.f32 s6, s4  }
0x13d: {  	s2 =	sadd.f32 s16, s2  }
0x13e: {  	s5 =	sadd.f32 s7, s5  }
0x13f: {  	s8 =	smul.f32 s22, s21;
	s21 =	sld [smem:$0xC3]  }
0x140: {  	s22 =	sld [smem:$0x143]  }
0x141: {  	s16 =	smul.f32 s24, s23;
	s23 =	sld [smem:$0xC4]  }
0x142: {  	s24 =	sld [smem:$0x144]  }
0x143: {  	s17 =	smul.f32 s26, s25;
	s25 =	sld [smem:$0xC5]  }
0x144: {  	s26 =	sld [smem:$0x145]  }
0x145: {  	s4 =	sadd.f32 s18, s4  }
0x146: {  	s3 =	sadd.f32 s8, s3  }
0x147: {  	s5 =	sadd.f32 s17, s5  }
0x148: {  	s6 =	smul.f32 s20, s19;
	s19 =	sld [smem:$0xC2]  }
0x149: {  	s20 =	sld [smem:$0x142]  }
0x14a: {  	s18 =	smul.f32 s29, s28;
	s28 =	sld [smem:$0xC6]  }
0x14b: {  	s29 =	sld [smem:$0x146]  }
0x14c: {  	s7 =	smul.f32 s31, s30;
	s30 =	sld [smem:$0xC7]  }
0x14d: {  	s31 =	sld [smem:$0x147]  }
0x14e: {  	s2 =	sadd.f32 s6, s2  }
0x14f: {  	s4 =	sadd.f32 s16, s4  }
0x150: {  	s3 =	sadd.f32 s7, s3  }
0x151: {  	s8 =	smul.f32 s22, s21;
	s21 =	sld [smem:$0xC9]  }
0x152: {  	s22 =	sld [smem:$0x149]  }
0x153: {  	s16 =	smul.f32 s24, s23;
	s23 =	sld [smem:$0xCA]  }
0x154: {  	s24 =	sld [smem:$0x14A]  }
0x155: {  	s17 =	smul.f32 s26, s25;
	s25 =	sld [smem:$0xCB]  }
0x156: {  	s26 =	sld [smem:$0x14B]  }
0x157: {  	s2 =	sadd.f32 s18, s2  }
0x158: {  	s5 =	sadd.f32 s8, s5  }
0x159: {  	s3 =	sadd.f32 s17, s3  }
0x15a: {  	s6 =	smul.f32 s20, s19;
	s19 =	sld [smem:$0xC8]  }
0x15b: {  	s20 =	sld [smem:$0x148]  }
0x15c: {  	s18 =	smul.f32 s29, s28;
	s28 =	sld [smem:$0xCC]  }
0x15d: {  	s29 =	sld [smem:$0x14C]  }
0x15e: {  	s7 =	smul.f32 s31, s30;
	s30 =	sld [smem:$0xCD]  }
0x15f: {  	s31 =	sld [smem:$0x14D]  }
0x160: {  	s4 =	sadd.f32 s6, s4  }
0x161: {  	s2 =	sadd.f32 s16, s2  }
0x162: {  	s5 =	sadd.f32 s7, s5  }
0x163: {  	s8 =	smul.f32 s22, s21;
	s21 =	sld [smem:$0xCF]  }
0x164: {  	s22 =	sld [smem:$0x14F]  }
0x165: {  	s16 =	smul.f32 s24, s23;
	s23 =	sld [smem:$0xD0]  }
0x166: {  	s24 =	sld [smem:$0x150]  }
0x167: {  	s17 =	smul.f32 s26, s25;
	s25 =	sld [smem:$0xD1]  }
0x168: {  	s26 =	sld [smem:$0x151]  }
0x169: {  	s4 =	sadd.f32 s18, s4  }
0x16a: {  	s3 =	sadd.f32 s8, s3  }
0x16b: {  	s5 =	sadd.f32 s17, s5  }
0x16c: {  	s6 =	smul.f32 s20, s19;
	s19 =	sld [smem:$0xCE]  }
0x16d: {  	s20 =	sld [smem:$0x14E]  }
0x16e: {  	s18 =	smul.f32 s29, s28;
	s28 =	sld [smem:$0xD2]  }
0x16f: {  	s29 =	sld [smem:$0x152]  }
0x170: {  	s7 =	smul.f32 s31, s30;
	s30 =	sld [smem:$0xD3]  }
0x171: {  	s31 =	sld [smem:$0x153]  }
0x172: {  	s2 =	sadd.f32 s6, s2  }
0x173: {  	s4 =	sadd.f32 s16, s4  }
0x174: {  	s3 =	sadd.f32 s7, s3  }
0x175: {  	s8 =	smul.f32 s22, s21;
	s21 =	sld [smem:$0xD5]  }
0x176: {  	s22 =	sld [smem:$0x155]  }
0x177: {  	s16 =	smul.f32 s24, s23;
	s23 =	sld [smem:$0xD6]  }
0x178: {  	s24 =	sld [smem:$0x156]  }
0x179: {  	s17 =	smul.f32 s26, s25;
	s25 =	sld [smem:$0xD7]  }
0x17a: {  	s26 =	sld [smem:$0x157]  }
0x17b: {  	s2 =	sadd.f32 s18, s2  }
0x17c: {  	s5 =	sadd.f32 s8, s5  }
0x17d: {  	s3 =	sadd.f32 s17, s3  }
0x17e: {  	s6 =	smul.f32 s20, s19;
	s19 =	sld [smem:$0xD4]  }
0x17f: {  	s20 =	sld [smem:$0x154]  }
0x180: {  	s18 =	smul.f32 s29, s28;
	s28 =	sld [smem:$0xD8]  }
0x181: {  	s29 =	sld [smem:$0x158]  }
0x182: {  	s7 =	smul.f32 s31, s30;
	s30 =	sld [smem:$0xD9]  }
0x183: {  	s31 =	sld [smem:$0x159]  }
0x184: {  	s4 =	sadd.f32 s6, s4  }
0x185: {  	s2 =	sadd.f32 s16, s2  }
0x186: {  	s5 =	sadd.f32 s7, s5  }
0x187: {  	s8 =	smul.f32 s22, s21;
	s21 =	sld [smem:$0xDB]  }
0x188: {  	s22 =	sld [smem:$0x15B]  }
0x189: {  	s16 =	smul.f32 s24, s23;
	s23 =	sld [smem:$0xDC]  }
0x18a: {  	s24 =	sld [smem:$0x15C]  }
0x18b: {  	s17 =	smul.f32 s26, s25;
	s25 =	sld [smem:$0xDD]  }
0x18c: {  	s26 =	sld [smem:$0x15D]  }
0x18d: {  	s4 =	sadd.f32 s18, s4  }
0x18e: {  	s3 =	sadd.f32 s8, s3  }
0x18f: {  	s5 =	sadd.f32 s17, s5  }
0x190: {  	s6 =	smul.f32 s20, s19;
	s19 =	sld [smem:$0xDA]  }
0x191: {  	s20 =	sld [smem:$0x15A]  }
0x192: {  	s18 =	smul.f32 s29, s28;
	s28 =	sld [smem:$0xDE]  }
0x193: {  	s29 =	sld [smem:$0x15E]  }
0x194: {  	s7 =	smul.f32 s31, s30;
	s30 =	sld [smem:$0xDF]  }
0x195: {  	s31 =	sld [smem:$0x15F]  }
0x196: {  	s2 =	sadd.f32 s6, s2  }
0x197: {  	s4 =	sadd.f32 s16, s4  }
0x198: {  	s3 =	sadd.f32 s7, s3  }
0x199: {  	s8 =	smul.f32 s22, s21;
	s21 =	sld [smem:$0xE1]  }
0x19a: {  	s22 =	sld [smem:$0x161]  }
0x19b: {  	s16 =	smul.f32 s24, s23;
	s23 =	sld [smem:$0xE2]  }
0x19c: {  	s24 =	sld [smem:$0x162]  }
0x19d: {  	s17 =	smul.f32 s26, s25;
	s25 =	sld [smem:$0xE3]  }
0x19e: {  	s26 =	sld [smem:$0x163]  }
0x19f: {  	s2 =	sadd.f32 s18, s2  }
0x1a0: {  	s5 =	sadd.f32 s8, s5  }
0x1a1: {  	s3 =	sadd.f32 s17, s3  }
0x1a2: {  	s6 =	smul.f32 s20, s19;
	s19 =	sld [smem:$0xE0]  }
0x1a3: {  	s20 =	sld [smem:$0x160]  }
0x1a4: {  	s18 =	smul.f32 s29, s28;
	s28 =	sld [smem:$0xE4]  }
0x1a5: {  	s29 =	sld [smem:$0x164]  }
0x1a6: {  	s7 =	smul.f32 s31, s30;
	s30 =	sld [smem:$0xE5]  }
0x1a7: {  	s31 =	sld [smem:$0x165]  }
0x1a8: {  	s4 =	sadd.f32 s6, s4  }
0x1a9: {  	s2 =	sadd.f32 s16, s2  }
0x1aa: {  	s5 =	sadd.f32 s7, s5  }
0x1ab: {  	s8 =	smul.f32 s22, s21;
	s21 =	sld [smem:$0xE7]  }
0x1ac: {  	s22 =	sld [smem:$0x167]  }
0x1ad: {  	s16 =	smul.f32 s24, s23;
	s23 =	sld [smem:$0xE8]  }
0x1ae: {  	s24 =	sld [smem:$0x168]  }
0x1af: {  	s17 =	smul.f32 s26, s25;
	s25 =	sld [smem:$0xE9]  }
0x1b0: {  	s26 =	sld [smem:$0x169]  }
0x1b1: {  	s4 =	sadd.f32 s18, s4  }
0x1b2: {  	s3 =	sadd.f32 s8, s3  }
0x1b3: {  	s5 =	sadd.f32 s17, s5  }
0x1b4: {  	s6 =	smul.f32 s20, s19;
	s19 =	sld [smem:$0xE6]  }
0x1b5: {  	s20 =	sld [smem:$0x166]  }
0x1b6: {  	s18 =	smul.f32 s29, s28;
	s28 =	sld [smem:$0xEA]  }
0x1b7: {  	s29 =	sld [smem:$0x16A]  }
0x1b8: {  	s7 =	smul.f32 s31, s30;
	s30 =	sld [smem:$0xEB]  }
0x1b9: {  	s31 =	sld [smem:$0x16B]  }
0x1ba: {  	s2 =	sadd.f32 s6, s2  }
0x1bb: {  	s4 =	sadd.f32 s16, s4  }
0x1bc: {  	s3 =	sadd.f32 s7, s3  }
0x1bd: {  	s8 =	smul.f32 s22, s21;
	s21 =	sld [smem:$0xED]  }
0x1be: {  	s22 =	sld [smem:$0x16D]  }
0x1bf: {  	s16 =	smul.f32 s24, s23;
	s23 =	sld [smem:$0xEE]  }
0x1c0: {  	s24 =	sld [smem:$0x16E]  }
0x1c1: {  	s17 =	smul.f32 s26, s25;
	s25 =	sld [smem:$0xEF]  }
0x1c2: {  	s26 =	sld [smem:$0x16F]  }
0x1c3: {  	s2 =	sadd.f32 s18, s2  }
0x1c4: {  	s5 =	sadd.f32 s8, s5  }
0x1c5: {  	s3 =	sadd.f32 s17, s3  }
0x1c6: {  	s6 =	smul.f32 s20, s19;
	s19 =	sld [smem:$0xEC]  }
0x1c7: {  	s20 =	sld [smem:$0x16C]  }
0x1c8: {  	s18 =	smul.f32 s29, s28;
	s28 =	sld [smem:$0xF0]  }
0x1c9: {  	s29 =	sld [smem:$0x170]  }
0x1ca: {  	s7 =	smul.f32 s31, s30;
	s30 =	sld [smem:$0xF1]  }
0x1cb: {  	s31 =	sld [smem:$0x171]  }
0x1cc: {  	s4 =	sadd.f32 s6, s4  }
0x1cd: {  	s2 =	sadd.f32 s16, s2  }
0x1ce: {  	s5 =	sadd.f32 s7, s5  }
0x1cf: {  	s8 =	smul.f32 s22, s21;
	s21 =	sld [smem:$0xF3]  }
0x1d0: {  	s22 =	sld [smem:$0x173]  }
0x1d1: {  	s16 =	smul.f32 s24, s23;
	s23 =	sld [smem:$0xF4]  }
0x1d2: {  	s24 =	sld [smem:$0x174]  }
0x1d3: {  	s17 =	smul.f32 s26, s25;
	s25 =	sld [smem:$0xF5]  }
0x1d4: {  	s26 =	sld [smem:$0x175]  }
0x1d5: {  	s4 =	sadd.f32 s18, s4  }
0x1d6: {  	s3 =	sadd.f32 s8, s3  }
0x1d7: {  	s5 =	sadd.f32 s17, s5  }
0x1d8: {  	s6 =	smul.f32 s20, s19;
	s19 =	sld [smem:$0xF2]  }
0x1d9: {  	s20 =	sld [smem:$0x172]  }
0x1da: {  	s18 =	smul.f32 s29, s28;
	s28 =	sld [smem:$0xF6]  }
0x1db: {  	s29 =	sld [smem:$0x176]  }
0x1dc: {  	s7 =	smul.f32 s31, s30;
	s30 =	sld [smem:$0xF7]  }
0x1dd: {  	s31 =	sld [smem:$0x177]  }
0x1de: {  	s2 =	sadd.f32 s6, s2  }
0x1df: {  	s4 =	sadd.f32 s16, s4  }
0x1e0: {  	s3 =	sadd.f32 s7, s3  }
0x1e1: {  	s8 =	smul.f32 s22, s21;
	s21 =	sld [smem:$0xF9]  }
0x1e2: {  	s22 =	sld [smem:$0x179]  }
0x1e3: {  	s16 =	smul.f32 s24, s23;
	s23 =	sld [smem:$0xFA]  }
0x1e4: {  	s24 =	sld [smem:$0x17A]  }
0x1e5: {  	s17 =	smul.f32 s26, s25;
	s25 =	sld [smem:$0xFB]  }
0x1e6: {  	s26 =	sld [smem:$0x17B]  }
0x1e7: {  	s2 =	sadd.f32 s18, s2  }
0x1e8: {  	s5 =	sadd.f32 s8, s5  }
0x1e9: {  	s3 =	sadd.f32 s17, s3  }
0x1ea: {  	s6 =	smul.f32 s20, s19;
	s19 =	sld [smem:$0xF8]  }
0x1eb: {  	s20 =	sld [smem:$0x178]  }
0x1ec: {  	s18 =	smul.f32 s29, s28;
	s28 =	sld [smem:$0xFC]  }
0x1ed: {  	s29 =	sld [smem:$0x17C]  }
0x1ee: {  	s7 =	smul.f32 s31, s30;
	s30 =	sld [smem:$0xFD]  }
0x1ef: {  	s31 =	sld [smem:$0x17D]  }
0x1f0: {  	s4 =	sadd.f32 s6, s4  }
0x1f1: {  	s2 =	sadd.f32 s16, s2  }
0x1f2: {  	s5 =	sadd.f32 s7, s5  }
0x1f3: {  	s8 =	smul.f32 s22, s21;
	s21 =	sld [smem:$0xFF]  }
0x1f4: {  	s22 =	sld [smem:$0x17F]  }
0x1f5: {  	s16 =	smul.f32 s24, s23;
	s23 =	sld [smem:$0x100]  }
0x1f6: {  	s24 =	sld [smem:$0x180]  }
0x1f7: {  	s17 =	smul.f32 s26, s25;
	s25 =	sld [smem:$0x101]  }
0x1f8: {  	s26 =	sld [smem:$0x181]  }
0x1f9: {  	s4 =	sadd.f32 s18, s4  }
0x1fa: {  	s3 =	sadd.f32 s8, s3  }
0x1fb: {  	s5 =	sadd.f32 s17, s5  }
0x1fc: {  	s6 =	smul.f32 s20, s19;
	s19 =	sld [smem:$0xFE]  }
0x1fd: {  	s20 =	sld [smem:$0x17E]  }
0x1fe: {  	s18 =	smul.f32 s29, s28;
	s28 =	sld [smem:$0x102]  }
0x1ff: {  	s29 =	sld [smem:$0x182]  }
0x200: {  	s7 =	smul.f32 s31, s30;
	s30 =	sld [smem:$0x103]  }
0x201: {  	s31 =	sld [smem:$0x183]  }
0x202: {  	s17 =	sld [smem:$0x184]  }
0x203: {  	s2 =	sadd.f32 s6, s2  }
0x204: {  	s4 =	sadd.f32 s16, s4  }
0x205: {  	s3 =	sadd.f32 s7, s3  }
0x206: {  	s16 =	sld [smem:$0x104]  }
0x207: {  	s8 =	smul.f32 s22, s21;
	s21 =	sld [smem:$0x186]  }
0x208: {  	s22 =	sld [smem:$0x107]  }
0x209: {  	s11 =	smul.f32 s24, s23;
	s23 =	sld [smem:$0x187]  }
0x20a: {  	s24 =	sld [smem:$0x108]  }
0x20b: {  	s13 =	smul.f32 s26, s25;
	s25 =	sld [smem:$0x188]  }
0x20c: {  	s26 =	sld [smem:$0x109]  }
0x20d: {  	s2 =	sadd.f32 s18, s2  }
0x20e: {  	s5 =	sadd.f32 s8, s5  }
0x20f: {  	s3 =	sadd.f32 s13, s3  }
0x210: {  	s18 =	sld [smem:$0x105]  }
0x211: {  	s6 =	smul.f32 s20, s19;
	s19 =	sld [smem:$0x185]  }
0x212: {  	s20 =	sld [smem:$0x106]  }
0x213: {  	s15 =	smul.f32 s29, s28;
	s28 =	sld [smem:$0x189]  }
0x214: {  	s13 =	sld [smem:$0x18B]  }
0x215: {  	s7 =	smul.f32 s31, s30;
	s4 =	sadd.f32 s6, s4  }
0x216: {  	s2 =	sadd.f32 s11, s2  }
0x217: {  	s5 =	sadd.f32 s7, s5  }
0x218: {  	s11 =	sld [smem:$0x18A]  }
0x219: {  	s6 =	smul.f32 s17, s16;
	s16 =	sld [smem:$0x10D]  }
0x21a: {  	s17 =	sld [smem:$0x18D]  }
0x21b: {  	s30 =	smul.f32 s23, s22;
	s4 =	sadd.f32 s15, s4  }
0x21c: {  	s2 =	sadd.f32 s6, s2  }
0x21d: {  	s5 =	sadd.f32 s30, s5  }
0x21e: {  	s15 =	sld [smem:$0x18C]  }
0x21f: {  	s8 =	smul.f32 s19, s18;
	s18 =	sld [smem:$0x10E]  }
0x220: {  	s19 =	sld [smem:$0x18E]  }
0x221: {  	s29 =	smul.f32 s21, s20;
	s20 =	sld [smem:$0x10F]  }
0x222: {  	s21 =	sld [smem:$0x18F]  }
0x223: {  	s31 =	smul.f32 s25, s24;
	s3 =	sadd.f32 s8, s3  }
0x224: {  	s7 =	smul.f32 s28, s26;
	s4 =	sadd.f32 s29, s4  }
0x225: {  	s2 =	sadd.f32 s31, s2;
	s6 =	smul.f32 s11, s10  }
0x226: {  	s8 =	smul.f32 s13, s12;
	s3 =	sadd.f32 s7, s3  }
0x227: {  	s4 =	sadd.f32 s6, s4;
	s22 =	smul.f32 s15, s14  }
0x228: {  	s23 =	smul.f32 s17, s16;
	s5 =	sadd.f32 s8, s5  }
0x229: {  	s24 =	smul.f32 s19, s18;
	s2 =	sadd.f32 s22, s2  }
0x22a: {  	s7 =	smul.f32 s21, s20;
	s3 =	sadd.f32 s23, s3  }
0x22b: {  	s4 =	sadd.f32 s24, s4  }
0x22c: {  	s5 =	sadd.f32 s7, s5  }
0x22d: {  	s2 =	sadd.f32 s3, s2  }
0x22e: {  	s25 =	sadd.f32 s5, s4;
	_ =	sdelay $0x1  }
0x22f: {  	s2 =	sadd.f32 s25, s2;
	_ =	sdelay $0x1  }
0x230: {  	s26 =	simm.s32 $0x190;
	[smem:$0x190] =	sst s2  }
0x231: {  	[hbm:s0], [sflag:s1] =	dma.local [smem:s26], $0x10  }
0x232: {  	_ =	swait.ge [sflag:s1], $0x10  }
0x233: {  	[sflag:s1] =	ssyncset.done $0x0  }
0x234: {  	[sflag:s1] =	ssyncadd.s32 $0xFFFFFFF0  }
0x235: {  	_ =	strace $0x90000046  }
0x236: {  	_ =	sfence  }
0x237: {  	s28 =	sld [smem:$0x0];
	_ =	sdelay $0x1  }
0x238: {  	s29 =	srdreg.scid  }
0x239: {  	s30 =	sshll.u32 s29, $0xD;
	s31 =	sshrl.u32 s29, $0x2  }
0x23a: {  	s2 =	sand.u32 $0x4000, s30;
	s1 =	sand.u32 $0x1, s29;
	s0 =	sadd.s32 s31, s28  }
0x23b: {  	s1 =	sor.u32 s2, s1;
	s0 =	sshll.u32 s0, $0x11  }
0x23c: {  	s0 =	sor.u32 s0, s1  }
0x23d: {  	s0 =	sadd.s32 $0x8F2B, s0;
	(pc) =	sbr.abs _section_cstart, $3  }
0x23e: {  	[sflag:s0] =	ssyncadd.remote.s32 $0x1  }
0x23f: {  	_ =	strace $0x9FFFFFFF  }
0x240: {  	(tm) =	ssettm $0x7FFFFFFF  }
0x241: {  	_ =	shalt  }

</sc_bundles>
